<compile_context>
chip_gen: v7x
topology: tpu7x:2x2x1
jax: 0.10.2.dev20260603
libtpu: 0.0.44.dev20260713+nightly
codegen_flags: <defaults>
</compile_context>

<pallas_src>
import functools

import jax
import jax.numpy as jnp
from jax import lax
from jax.experimental import pallas as pl
from jax.experimental.pallas import tpu as pltpu
from jax.experimental.pallas import tpu_sc as plsc

B = 16384
K = 64
N = 1000

_INFO = plsc.get_sparse_core_info()
NC = _INFO.num_cores
NS = _INFO.num_subcores
NW = NC * NS
IDX_W = 128
BPW = B // NW
JC = BPW // IDX_W

BM = 1024
NQ = 5
RQ = N // NQ


def _sc_gather_prod_pairs(idx0, idx1, f0, f1):
    mesh = plsc.VectorSubcoreMesh(core_axis_name="c", subcore_axis_name="s")

    @functools.partial(
        pl.kernel,
        mesh=mesh,
        compiler_params=pltpu.CompilerParams(use_tc_tiling_on_sc=False),
        out_type=jax.ShapeDtypeStruct((B // 2, 2 * K), jnp.float32),
        scratch_types=[
            pltpu.VMEM((JC, IDX_W), jnp.int32),
            pltpu.VMEM((JC, IDX_W), jnp.int32),
            pltpu.VMEM((BPW, K), jnp.float32),
            pltpu.VMEM((BPW, K), jnp.float32),
            pltpu.SemaphoreType.DMA,
            pltpu.SemaphoreType.DMA,
        ],
    )
    def sc_k(idx0_hbm, idx1_hbm, f0_hbm, f1_hbm, out_hbm,
             idx0_v, idx1_v, r0, r1, sem0, sem1):
        wid = lax.axis_index("s") * NC + lax.axis_index("c")
        base = wid * JC
        pltpu.sync_copy(idx0_hbm.at[pl.ds(base, JC)], idx0_v)
        pltpu.sync_copy(idx1_hbm.at[pl.ds(base, JC)], idx1_v)
        copies = []
        for j in range(JC):
            dst = pl.ds(j * IDX_W, IDX_W)
            copies.append(
                pltpu.async_copy(f0_hbm.at[idx0_v.at[j]], r0.at[dst], sem0))
            copies.append(
                pltpu.async_copy(f1_hbm.at[idx1_v.at[j]], r1.at[dst], sem1))
        for c in copies:
            c.wait()

        def body(r, carry):
            for c in range(K // 16):
                s = pl.ds(c * 16, 16)
                r0[r, s] = r0[r, s] * r1[r, s]
            return carry

        lax.fori_loop(0, BPW, body, 0)

        par = lax.rem(wid, 4)
        qbase = (wid // 4) * 1024 + lax.rem(wid, 2) * 512
        h = par // 2
        pltpu.sync_copy(
            r0, out_hbm.at[pl.ds(qbase, BPW), pl.ds(h * K, K)])

    return sc_k(idx0, idx1, f0, f1)


def _tc_matmul_pairs(pairs, f2_lo, f2_hi):
    grid = (B // BM,)

    def body(p_ref, lo_ref, hi_ref, out_ref, obuf, sems):
        i = pl.program_id(0)
        nsteps = pl.num_programs(0)

        def slot_copies(step, slot, do_start):
            for q in range(NQ):
                cp = pltpu.make_async_copy(
                    obuf.at[pl.ds(slot * N + q * RQ, RQ), :],
                    out_ref.at[pl.ds(q * RQ, RQ), pl.ds(step * BM, BM)],
                    sems.at[slot, q],
                )
                if do_start:
                    cp.start()
                else:
                    cp.wait()

        def for_parity(step, do_start):
            @pl.when(lax.rem(step, 2) == 0)
            def _():
                slot_copies(step, 0, do_start)

            @pl.when(lax.rem(step, 2) == 1)
            def _():
                slot_copies(step, 1, do_start)

        @pl.when(i >= 2)
        def _():
            for_parity(i - 2, False)

        rhs = p_ref[...]
        cdims = (((1,), (1,)), ((), ()))

        @pl.when(lax.rem(i, 2) == 0)
        def _():
            obuf[pl.ds(0, N), :] = lax.dot_general(
                lo_ref[...], rhs, cdims, preferred_element_type=jnp.float32)

        @pl.when(lax.rem(i, 2) == 1)
        def _():
            obuf[pl.ds(N, N), :] = lax.dot_general(
                hi_ref[...], rhs, cdims, preferred_element_type=jnp.float32)

        for_parity(i, True)

        @pl.when(i == nsteps - 1)
        def _():
            for_parity(i - 1, False)
            for_parity(i, False)

    return pl.pallas_call(
        body,
        grid=grid,
        in_specs=[
            pl.BlockSpec((BM, 2 * K), lambda i: (i // 2, 0)),
            pl.BlockSpec((N, 2 * K), lambda i: (0, 0)),
            pl.BlockSpec((N, 2 * K), lambda i: (0, 0)),
        ],
        out_specs=pl.BlockSpec(memory_space=pl.ANY),
        out_shape=jax.ShapeDtypeStruct((N, B), jnp.float32),
        scratch_shapes=[
            pltpu.VMEM((2 * N, BM), jnp.float32),
            pltpu.SemaphoreType.DMA((2, NQ)),
        ],
    )(pairs, f2_lo, f2_hi)


def _sig_clip(log_sigma):
    def sig_body(ls_ref, sig_ref):
        sig_ref[...] = jnp.clip(ls_ref[...], -2.5, 0.0)

    return pl.pallas_call(
        sig_body,
        out_shape=jax.ShapeDtypeStruct((1, N), jnp.float32),
    )(log_sigma)


def kernel(indices, F0, F1, F2, log_sigma):
    idx0 = indices[:, 0].reshape(NW * JC, IDX_W).astype(jnp.int32)
    idx1 = indices[:, 1].reshape(NW * JC, IDX_W).astype(jnp.int32)
    pairs = _sc_gather_prod_pairs(idx0, idx1, F0, F1)
    zeros = jnp.zeros((N, K), dtype=jnp.float32)
    f2_lo = jnp.concatenate([F2, zeros], axis=1)
    f2_hi = jnp.concatenate([zeros, F2], axis=1)
    resT = _tc_matmul_pairs(pairs, f2_lo, f2_hi)
    res = resT.T
    sig = _sig_clip(log_sigma)
    return (res, sig)

# --- scband reference (transcript-rebuilt; emitter-appended) ---
"""Pipeline reference for scband-policy-parafac-71734543778032 (READ-ONLY COPY).

The authoritative reference and input builder live on the scoring server;
editing this copy changes nothing except your own understanding.
"""

import jax, jax.numpy as jnp
import numpy as np

DIMS = [100000, 100000, 1000]
K = 64
BATCH = 16384


def setup_inputs(seed: int = 0) -> dict:
    key = jax.random.key(seed)
    k0, k1, k2, k3 = jax.random.split(key, 4)
    indices = jax.random.randint(k0, (BATCH, 2), 0, 100000)
    # learned parameters per init_kwargs (scale=1.0, bias=0.0)
    F0 = jax.random.normal(k1, (DIMS[0], K), dtype=jnp.float32)
    F1 = jax.random.normal(k2, (DIMS[1], K), dtype=jnp.float32)
    F2 = jax.random.normal(k3, (DIMS[2], K), dtype=jnp.float32)
    log_sigma = jnp.zeros((1, DIMS[-1]), dtype=jnp.float32)
    return {"indices": indices, "F0": F0, "F1": F1, "F2": F2, "log_sigma": log_sigma}


def reference(indices, F0, F1, F2, log_sigma):
    # prod starts as ones[bsz, k]; multiplied by gathered rows of each indexed factor
    prod = jnp.ones((indices.shape[0], K), dtype=jnp.float32)
    prod = prod * jnp.take(F0, indices[:, 0], axis=0)
    prod = prod * jnp.take(F1, indices[:, 1], axis=0)
    # indices.shape[1] (=2) < n_factors (=3): contract with last factor transpose
    res = jnp.matmul(prod, F2.T)
    sig = jnp.clip(log_sigma, -2.5, 0.0)
    return (res, sig)

if __name__ == "__main__":
    import jax
    _d = setup_inputs()
    print(jax.jit(kernel)(*tuple(_d.values())))

</pallas_src>

<mosaic_0001>
#map = affine_map<(d0, d1) -> (0, 0)>
module attributes {stable_mosaic.version = 14 : i64} {
  func.func @sc_k(%arg0: i32, %arg1: i32, %arg2: memref<128x128xi32, #tpu.memory_space<hbm>>, %arg3: memref<128x128xi32, #tpu.memory_space<hbm>>, %arg4: memref<100000x64xf32, #tpu.memory_space<hbm>>, %arg5: memref<100000x64xf32, #tpu.memory_space<hbm>>, %arg6: memref<8192x128xf32, #tpu.memory_space<hbm>>, %arg7: memref<4x128xi32, #tpu.memory_space<vmem>>, %arg8: memref<4x128xi32, #tpu.memory_space<vmem>>, %arg9: memref<512x64xf32, #tpu.memory_space<vmem>>, %arg10: memref<512x64xf32, #tpu.memory_space<vmem>>, %arg11: memref<!tpu.dma_semaphore, #tpu.memory_space<semaphore_mem>>, %arg12: memref<!tpu.dma_semaphore, #tpu.memory_space<semaphore_mem>>) attributes {dimension_semantics = [#tpu.dimension_semantics<core_parallel>, #tpu.dimension_semantics<subcore_parallel>], iteration_bounds = array<i64: 2, 16>, scalar_prefetch = 0 : i64, scratch_operands = 6 : i64, tpu.core_type = #tpu.core_type<sc_vector_subcore>, window_params = [{transform_indices = #map}, {transform_indices = #map}, {transform_indices = #map}, {transform_indices = #map}, {transform_indices = #map}]} {
    %mul3A = arith.constant 2 : i32
    %mul3A_0 = arith.muli %arg1, %mul3A : i32
    %add3A = arith.addi %mul3A_0, %arg0 : i32
    %mul3A_1 = arith.constant 4 : i32
    %mul3A_2 = arith.muli %add3A, %mul3A_1 : i32
    "tpu.region"() ({
      %run_scoped3A = tpu.sem_alloc : memref<!tpu.dma_semaphore, #tpu.memory_space<semaphore_mem>>
      %dma_start3A_217 = arith.constant 0 : i32
      %dma_start3A_218 = tpu.memref_slice %arg2[%mul3A_2, %dma_start3A_217] : memref<128x128xi32, #tpu.memory_space<hbm>> -> memref<4x128xi32, #tpu.memory_space<hbm>>
      %dma_start3A_219 = arith.constant 0 : i32
      %dma_start3A_220 = tpu.memref_slice %arg2[%mul3A_2, %dma_start3A_219] : memref<128x128xi32, #tpu.memory_space<hbm>> -> memref<4x128xi32, #tpu.memory_space<hbm>>
      tpu.enqueue_dma source(%dma_start3A_220 : memref<4x128xi32, #tpu.memory_space<hbm>>) target(%arg7 : memref<4x128xi32, #tpu.memory_space<vmem>>) target_semaphore(%run_scoped3A : memref<!tpu.dma_semaphore, #tpu.memory_space<semaphore_mem>>)
      %dma_wait3A_221 = arith.constant 0 : i32
      %dma_wait3A_222 = tpu.memref_slice %arg2[%mul3A_2, %dma_wait3A_221] : memref<128x128xi32, #tpu.memory_space<hbm>> -> memref<4x128xi32, #tpu.memory_space<hbm>>
      %dma_wait3A_223 = arith.constant 0 : i32
      %dma_wait3A_224 = tpu.memref_slice %arg2[%mul3A_2, %dma_wait3A_223] : memref<128x128xi32, #tpu.memory_space<hbm>> -> memref<4x128xi32, #tpu.memory_space<hbm>>
      tpu.wait_dma2 semaphore(%run_scoped3A : memref<!tpu.dma_semaphore, #tpu.memory_space<semaphore_mem>>) src(%dma_wait3A_224 : memref<4x128xi32, #tpu.memory_space<hbm>>) dst(%arg7 : memref<4x128xi32, #tpu.memory_space<vmem>>)
      tpu.yield
    }) : () -> ()
    "tpu.region"() ({
      %run_scoped3A = tpu.sem_alloc : memref<!tpu.dma_semaphore, #tpu.memory_space<semaphore_mem>>
      %dma_start3A_217 = arith.constant 0 : i32
      %dma_start3A_218 = tpu.memref_slice %arg3[%mul3A_2, %dma_start3A_217] : memref<128x128xi32, #tpu.memory_space<hbm>> -> memref<4x128xi32, #tpu.memory_space<hbm>>
      %dma_start3A_219 = arith.constant 0 : i32
      %dma_start3A_220 = tpu.memref_slice %arg3[%mul3A_2, %dma_start3A_219] : memref<128x128xi32, #tpu.memory_space<hbm>> -> memref<4x128xi32, #tpu.memory_space<hbm>>
      tpu.enqueue_dma source(%dma_start3A_220 : memref<4x128xi32, #tpu.memory_space<hbm>>) target(%arg8 : memref<4x128xi32, #tpu.memory_space<vmem>>) target_semaphore(%run_scoped3A : memref<!tpu.dma_semaphore, #tpu.memory_space<semaphore_mem>>)
      %dma_wait3A_221 = arith.constant 0 : i32
      %dma_wait3A_222 = tpu.memref_slice %arg3[%mul3A_2, %dma_wait3A_221] : memref<128x128xi32, #tpu.memory_space<hbm>> -> memref<4x128xi32, #tpu.memory_space<hbm>>
      %dma_wait3A_223 = arith.constant 0 : i32
      %dma_wait3A_224 = tpu.memref_slice %arg3[%mul3A_2, %dma_wait3A_223] : memref<128x128xi32, #tpu.memory_space<hbm>> -> memref<4x128xi32, #tpu.memory_space<hbm>>
      tpu.wait_dma2 semaphore(%run_scoped3A : memref<!tpu.dma_semaphore, #tpu.memory_space<semaphore_mem>>) src(%dma_wait3A_224 : memref<4x128xi32, #tpu.memory_space<hbm>>) dst(%arg8 : memref<4x128xi32, #tpu.memory_space<vmem>>)
      tpu.yield
    }) : () -> ()
    %dma_start3A = arith.constant 0 : i32
    %dma_start3A_3 = arith.constant 0 : i32
    %dma_start3A_4 = arith.constant 0 : i32
    %dma_start3A_5 = tpu.memref_slice %arg9[%dma_start3A_3, %dma_start3A_4] : memref<512x64xf32, #tpu.memory_space<vmem>> -> memref<128x64xf32, #tpu.memory_space<vmem>>
    %dma_start3A_6 = arith.constant 0 : i32
    %dma_start3A_7 = tpu.memref_slice %arg7[%dma_start3A, %dma_start3A_6] : memref<4x128xi32, #tpu.memory_space<vmem>> -> memref<1x128xi32, #tpu.memory_space<vmem>>
    %dma_start3A_8 = tpu.memref_squeeze %dma_start3A_7 : memref<1x128xi32, #tpu.memory_space<vmem>> -> memref<128xi32, #tpu.memory_space<vmem>>
    %dma_start3A_9 = arith.constant 0 : i32
    %dma_start3A_10 = arith.constant 0 : i32
    %dma_start3A_11 = tpu.memref_slice %arg4[%dma_start3A_9, %dma_start3A_10] : memref<100000x64xf32, #tpu.memory_space<hbm>> -> memref<100000x64xf32, #tpu.memory_space<hbm>>
    tpu.enqueue_indirect_dma source(%dma_start3A_11 : memref<100000x64xf32, #tpu.memory_space<hbm>>) target(%dma_start3A_5 : memref<128x64xf32, #tpu.memory_space<vmem>>) offsets(%dma_start3A_8 : memref<128xi32, #tpu.memory_space<vmem>>) semaphore(%arg11 : memref<!tpu.dma_semaphore, #tpu.memory_space<semaphore_mem>>)
    %dma_start3A_12 = arith.constant 0 : i32
    %dma_start3A_13 = arith.constant 0 : i32
    %dma_start3A_14 = arith.constant 0 : i32
    %dma_start3A_15 = tpu.memref_slice %arg10[%dma_start3A_13, %dma_start3A_14] : memref<512x64xf32, #tpu.memory_space<vmem>> -> memref<128x64xf32, #tpu.memory_space<vmem>>
    %dma_start3A_16 = arith.constant 0 : i32
    %dma_start3A_17 = tpu.memref_slice %arg8[%dma_start3A_12, %dma_start3A_16] : memref<4x128xi32, #tpu.memory_space<vmem>> -> memref<1x128xi32, #tpu.memory_space<vmem>>
    %dma_start3A_18 = tpu.memref_squeeze %dma_start3A_17 : memref<1x128xi32, #tpu.memory_space<vmem>> -> memref<128xi32, #tpu.memory_space<vmem>>
    %dma_start3A_19 = arith.constant 0 : i32
    %dma_start3A_20 = arith.constant 0 : i32
    %dma_start3A_21 = tpu.memref_slice %arg5[%dma_start3A_19, %dma_start3A_20] : memref<100000x64xf32, #tpu.memory_space<hbm>> -> memref<100000x64xf32, #tpu.memory_space<hbm>>
    tpu.enqueue_indirect_dma source(%dma_start3A_21 : memref<100000x64xf32, #tpu.memory_space<hbm>>) target(%dma_start3A_15 : memref<128x64xf32, #tpu.memory_space<vmem>>) offsets(%dma_start3A_18 : memref<128xi32, #tpu.memory_space<vmem>>) semaphore(%arg12 : memref<!tpu.dma_semaphore, #tpu.memory_space<semaphore_mem>>)
    %dma_start3A_22 = arith.constant 1 : i32
    %dma_start3A_23 = arith.constant 128 : i32
    %dma_start3A_24 = arith.constant 0 : i32
    %dma_start3A_25 = tpu.memref_slice %arg9[%dma_start3A_23, %dma_start3A_24] : memref<512x64xf32, #tpu.memory_space<vmem>> -> memref<128x64xf32, #tpu.memory_space<vmem>>
    %dma_start3A_26 = arith.constant 0 : i32
    %dma_start3A_27 = tpu.memref_slice %arg7[%dma_start3A_22, %dma_start3A_26] : memref<4x128xi32, #tpu.memory_space<vmem>> -> memref<1x128xi32, #tpu.memory_space<vmem>>
    %dma_start3A_28 = tpu.memref_squeeze %dma_start3A_27 : memref<1x128xi32, #tpu.memory_space<vmem>> -> memref<128xi32, #tpu.memory_space<vmem>>
    %dma_start3A_29 = arith.constant 0 : i32
    %dma_start3A_30 = arith.constant 0 : i32
    %dma_start3A_31 = tpu.memref_slice %arg4[%dma_start3A_29, %dma_start3A_30] : memref<100000x64xf32, #tpu.memory_space<hbm>> -> memref<100000x64xf32, #tpu.memory_space<hbm>>
    tpu.enqueue_indirect_dma source(%dma_start3A_31 : memref<100000x64xf32, #tpu.memory_space<hbm>>) target(%dma_start3A_25 : memref<128x64xf32, #tpu.memory_space<vmem>>) offsets(%dma_start3A_28 : memref<128xi32, #tpu.memory_space<vmem>>) semaphore(%arg11 : memref<!tpu.dma_semaphore, #tpu.memory_space<semaphore_mem>>)
    %dma_start3A_32 = arith.constant 1 : i32
    %dma_start3A_33 = arith.constant 128 : i32
    %dma_start3A_34 = arith.constant 0 : i32
    %dma_start3A_35 = tpu.memref_slice %arg10[%dma_start3A_33, %dma_start3A_34] : memref<512x64xf32, #tpu.memory_space<vmem>> -> memref<128x64xf32, #tpu.memory_space<vmem>>
    %dma_start3A_36 = arith.constant 0 : i32
    %dma_start3A_37 = tpu.memref_slice %arg8[%dma_start3A_32, %dma_start3A_36] : memref<4x128xi32, #tpu.memory_space<vmem>> -> memref<1x128xi32, #tpu.memory_space<vmem>>
    %dma_start3A_38 = tpu.memref_squeeze %dma_start3A_37 : memref<1x128xi32, #tpu.memory_space<vmem>> -> memref<128xi32, #tpu.memory_space<vmem>>
    %dma_start3A_39 = arith.constant 0 : i32
    %dma_start3A_40 = arith.constant 0 : i32
    %dma_start3A_41 = tpu.memref_slice %arg5[%dma_start3A_39, %dma_start3A_40] : memref<100000x64xf32, #tpu.memory_space<hbm>> -> memref<100000x64xf32, #tpu.memory_space<hbm>>
    tpu.enqueue_indirect_dma source(%dma_start3A_41 : memref<100000x64xf32, #tpu.memory_space<hbm>>) target(%dma_start3A_35 : memref<128x64xf32, #tpu.memory_space<vmem>>) offsets(%dma_start3A_38 : memref<128xi32, #tpu.memory_space<vmem>>) semaphore(%arg12 : memref<!tpu.dma_semaphore, #tpu.memory_space<semaphore_mem>>)
    %dma_start3A_42 = arith.constant 2 : i32
    %dma_start3A_43 = arith.constant 256 : i32
    %dma_start3A_44 = arith.constant 0 : i32
    %dma_start3A_45 = tpu.memref_slice %arg9[%dma_start3A_43, %dma_start3A_44] : memref<512x64xf32, #tpu.memory_space<vmem>> -> memref<128x64xf32, #tpu.memory_space<vmem>>
    %dma_start3A_46 = arith.constant 0 : i32
    %dma_start3A_47 = tpu.memref_slice %arg7[%dma_start3A_42, %dma_start3A_46] : memref<4x128xi32, #tpu.memory_space<vmem>> -> memref<1x128xi32, #tpu.memory_space<vmem>>
    %dma_start3A_48 = tpu.memref_squeeze %dma_start3A_47 : memref<1x128xi32, #tpu.memory_space<vmem>> -> memref<128xi32, #tpu.memory_space<vmem>>
    %dma_start3A_49 = arith.constant 0 : i32
    %dma_start3A_50 = arith.constant 0 : i32
    %dma_start3A_51 = tpu.memref_slice %arg4[%dma_start3A_49, %dma_start3A_50] : memref<100000x64xf32, #tpu.memory_space<hbm>> -> memref<100000x64xf32, #tpu.memory_space<hbm>>
    tpu.enqueue_indirect_dma source(%dma_start3A_51 : memref<100000x64xf32, #tpu.memory_space<hbm>>) target(%dma_start3A_45 : memref<128x64xf32, #tpu.memory_space<vmem>>) offsets(%dma_start3A_48 : memref<128xi32, #tpu.memory_space<vmem>>) semaphore(%arg11 : memref<!tpu.dma_semaphore, #tpu.memory_space<semaphore_mem>>)
    %dma_start3A_52 = arith.constant 2 : i32
    %dma_start3A_53 = arith.constant 256 : i32
    %dma_start3A_54 = arith.constant 0 : i32
    %dma_start3A_55 = tpu.memref_slice %arg10[%dma_start3A_53, %dma_start3A_54] : memref<512x64xf32, #tpu.memory_space<vmem>> -> memref<128x64xf32, #tpu.memory_space<vmem>>
    %dma_start3A_56 = arith.constant 0 : i32
    %dma_start3A_57 = tpu.memref_slice %arg8[%dma_start3A_52, %dma_start3A_56] : memref<4x128xi32, #tpu.memory_space<vmem>> -> memref<1x128xi32, #tpu.memory_space<vmem>>
    %dma_start3A_58 = tpu.memref_squeeze %dma_start3A_57 : memref<1x128xi32, #tpu.memory_space<vmem>> -> memref<128xi32, #tpu.memory_space<vmem>>
    %dma_start3A_59 = arith.constant 0 : i32
    %dma_start3A_60 = arith.constant 0 : i32
    %dma_start3A_61 = tpu.memref_slice %arg5[%dma_start3A_59, %dma_start3A_60] : memref<100000x64xf32, #tpu.memory_space<hbm>> -> memref<100000x64xf32, #tpu.memory_space<hbm>>
    tpu.enqueue_indirect_dma source(%dma_start3A_61 : memref<100000x64xf32, #tpu.memory_space<hbm>>) target(%dma_start3A_55 : memref<128x64xf32, #tpu.memory_space<vmem>>) offsets(%dma_start3A_58 : memref<128xi32, #tpu.memory_space<vmem>>) semaphore(%arg12 : memref<!tpu.dma_semaphore, #tpu.memory_space<semaphore_mem>>)
    %dma_start3A_62 = arith.constant 3 : i32
    %dma_start3A_63 = arith.constant 384 : i32
    %dma_start3A_64 = arith.constant 0 : i32
    %dma_start3A_65 = tpu.memref_slice %arg9[%dma_start3A_63, %dma_start3A_64] : memref<512x64xf32, #tpu.memory_space<vmem>> -> memref<128x64xf32, #tpu.memory_space<vmem>>
    %dma_start3A_66 = arith.constant 0 : i32
    %dma_start3A_67 = tpu.memref_slice %arg7[%dma_start3A_62, %dma_start3A_66] : memref<4x128xi32, #tpu.memory_space<vmem>> -> memref<1x128xi32, #tpu.memory_space<vmem>>
    %dma_start3A_68 = tpu.memref_squeeze %dma_start3A_67 : memref<1x128xi32, #tpu.memory_space<vmem>> -> memref<128xi32, #tpu.memory_space<vmem>>
    %dma_start3A_69 = arith.constant 0 : i32
    %dma_start3A_70 = arith.constant 0 : i32
    %dma_start3A_71 = tpu.memref_slice %arg4[%dma_start3A_69, %dma_start3A_70] : memref<100000x64xf32, #tpu.memory_space<hbm>> -> memref<100000x64xf32, #tpu.memory_space<hbm>>
    tpu.enqueue_indirect_dma source(%dma_start3A_71 : memref<100000x64xf32, #tpu.memory_space<hbm>>) target(%dma_start3A_65 : memref<128x64xf32, #tpu.memory_space<vmem>>) offsets(%dma_start3A_68 : memref<128xi32, #tpu.memory_space<vmem>>) semaphore(%arg11 : memref<!tpu.dma_semaphore, #tpu.memory_space<semaphore_mem>>)
    %dma_start3A_72 = arith.constant 3 : i32
    %dma_start3A_73 = arith.constant 384 : i32
    %dma_start3A_74 = arith.constant 0 : i32
    %dma_start3A_75 = tpu.memref_slice %arg10[%dma_start3A_73, %dma_start3A_74] : memref<512x64xf32, #tpu.memory_space<vmem>> -> memref<128x64xf32, #tpu.memory_space<vmem>>
    %dma_start3A_76 = arith.constant 0 : i32
    %dma_start3A_77 = tpu.memref_slice %arg8[%dma_start3A_72, %dma_start3A_76] : memref<4x128xi32, #tpu.memory_space<vmem>> -> memref<1x128xi32, #tpu.memory_space<vmem>>
    %dma_start3A_78 = tpu.memref_squeeze %dma_start3A_77 : memref<1x128xi32, #tpu.memory_space<vmem>> -> memref<128xi32, #tpu.memory_space<vmem>>
    %dma_start3A_79 = arith.constant 0 : i32
    %dma_start3A_80 = arith.constant 0 : i32
    %dma_start3A_81 = tpu.memref_slice %arg5[%dma_start3A_79, %dma_start3A_80] : memref<100000x64xf32, #tpu.memory_space<hbm>> -> memref<100000x64xf32, #tpu.memory_space<hbm>>
    tpu.enqueue_indirect_dma source(%dma_start3A_81 : memref<100000x64xf32, #tpu.memory_space<hbm>>) target(%dma_start3A_75 : memref<128x64xf32, #tpu.memory_space<vmem>>) offsets(%dma_start3A_78 : memref<128xi32, #tpu.memory_space<vmem>>) semaphore(%arg12 : memref<!tpu.dma_semaphore, #tpu.memory_space<semaphore_mem>>)
    %dma_wait3A = arith.constant 0 : i32
    %dma_wait3A_82 = arith.constant 0 : i32
    %dma_wait3A_83 = arith.constant 0 : i32
    %dma_wait3A_84 = tpu.memref_slice %arg9[%dma_wait3A_82, %dma_wait3A_83] : memref<512x64xf32, #tpu.memory_space<vmem>> -> memref<128x64xf32, #tpu.memory_space<vmem>>
    %dma_wait3A_85 = arith.constant 0 : i32
    %dma_wait3A_86 = tpu.memref_slice %arg7[%dma_wait3A, %dma_wait3A_85] : memref<4x128xi32, #tpu.memory_space<vmem>> -> memref<1x128xi32, #tpu.memory_space<vmem>>
    %dma_wait3A_87 = tpu.memref_squeeze %dma_wait3A_86 : memref<1x128xi32, #tpu.memory_space<vmem>> -> memref<128xi32, #tpu.memory_space<vmem>>
    %dma_wait3A_88 = arith.constant 0 : i32
    %dma_wait3A_89 = arith.constant 0 : i32
    %dma_wait3A_90 = tpu.memref_slice %arg4[%dma_wait3A_88, %dma_wait3A_89] : memref<100000x64xf32, #tpu.memory_space<hbm>> -> memref<100000x64xf32, #tpu.memory_space<hbm>>
    tpu.wait_indirect_dma semaphore(%arg11 : memref<!tpu.dma_semaphore, #tpu.memory_space<semaphore_mem>>) src(%dma_wait3A_90 : memref<100000x64xf32, #tpu.memory_space<hbm>>) dst(%dma_wait3A_84 : memref<128x64xf32, #tpu.memory_space<vmem>>)
    %dma_wait3A_91 = arith.constant 0 : i32
    %dma_wait3A_92 = arith.constant 0 : i32
    %dma_wait3A_93 = arith.constant 0 : i32
    %dma_wait3A_94 = tpu.memref_slice %arg10[%dma_wait3A_92, %dma_wait3A_93] : memref<512x64xf32, #tpu.memory_space<vmem>> -> memref<128x64xf32, #tpu.memory_space<vmem>>
    %dma_wait3A_95 = arith.constant 0 : i32
    %dma_wait3A_96 = tpu.memref_slice %arg8[%dma_wait3A_91, %dma_wait3A_95] : memref<4x128xi32, #tpu.memory_space<vmem>> -> memref<1x128xi32, #tpu.memory_space<vmem>>
    %dma_wait3A_97 = tpu.memref_squeeze %dma_wait3A_96 : memref<1x128xi32, #tpu.memory_space<vmem>> -> memref<128xi32, #tpu.memory_space<vmem>>
    %dma_wait3A_98 = arith.constant 0 : i32
    %dma_wait3A_99 = arith.constant 0 : i32
    %dma_wait3A_100 = tpu.memref_slice %arg5[%dma_wait3A_98, %dma_wait3A_99] : memref<100000x64xf32, #tpu.memory_space<hbm>> -> memref<100000x64xf32, #tpu.memory_space<hbm>>
    tpu.wait_indirect_dma semaphore(%arg12 : memref<!tpu.dma_semaphore, #tpu.memory_space<semaphore_mem>>) src(%dma_wait3A_100 : memref<100000x64xf32, #tpu.memory_space<hbm>>) dst(%dma_wait3A_94 : memref<128x64xf32, #tpu.memory_space<vmem>>)
    %dma_wait3A_101 = arith.constant 1 : i32
    %dma_wait3A_102 = arith.constant 128 : i32
    %dma_wait3A_103 = arith.constant 0 : i32
    %dma_wait3A_104 = tpu.memref_slice %arg9[%dma_wait3A_102, %dma_wait3A_103] : memref<512x64xf32, #tpu.memory_space<vmem>> -> memref<128x64xf32, #tpu.memory_space<vmem>>
    %dma_wait3A_105 = arith.constant 0 : i32
    %dma_wait3A_106 = tpu.memref_slice %arg7[%dma_wait3A_101, %dma_wait3A_105] : memref<4x128xi32, #tpu.memory_space<vmem>> -> memref<1x128xi32, #tpu.memory_space<vmem>>
    %dma_wait3A_107 = tpu.memref_squeeze %dma_wait3A_106 : memref<1x128xi32, #tpu.memory_space<vmem>> -> memref<128xi32, #tpu.memory_space<vmem>>
    %dma_wait3A_108 = arith.constant 0 : i32
    %dma_wait3A_109 = arith.constant 0 : i32
    %dma_wait3A_110 = tpu.memref_slice %arg4[%dma_wait3A_108, %dma_wait3A_109] : memref<100000x64xf32, #tpu.memory_space<hbm>> -> memref<100000x64xf32, #tpu.memory_space<hbm>>
    tpu.wait_indirect_dma semaphore(%arg11 : memref<!tpu.dma_semaphore, #tpu.memory_space<semaphore_mem>>) src(%dma_wait3A_110 : memref<100000x64xf32, #tpu.memory_space<hbm>>) dst(%dma_wait3A_104 : memref<128x64xf32, #tpu.memory_space<vmem>>)
    %dma_wait3A_111 = arith.constant 1 : i32
    %dma_wait3A_112 = arith.constant 128 : i32
    %dma_wait3A_113 = arith.constant 0 : i32
    %dma_wait3A_114 = tpu.memref_slice %arg10[%dma_wait3A_112, %dma_wait3A_113] : memref<512x64xf32, #tpu.memory_space<vmem>> -> memref<128x64xf32, #tpu.memory_space<vmem>>
    %dma_wait3A_115 = arith.constant 0 : i32
    %dma_wait3A_116 = tpu.memref_slice %arg8[%dma_wait3A_111, %dma_wait3A_115] : memref<4x128xi32, #tpu.memory_space<vmem>> -> memref<1x128xi32, #tpu.memory_space<vmem>>
    %dma_wait3A_117 = tpu.memref_squeeze %dma_wait3A_116 : memref<1x128xi32, #tpu.memory_space<vmem>> -> memref<128xi32, #tpu.memory_space<vmem>>
    %dma_wait3A_118 = arith.constant 0 : i32
    %dma_wait3A_119 = arith.constant 0 : i32
    %dma_wait3A_120 = tpu.memref_slice %arg5[%dma_wait3A_118, %dma_wait3A_119] : memref<100000x64xf32, #tpu.memory_space<hbm>> -> memref<100000x64xf32, #tpu.memory_space<hbm>>
    tpu.wait_indirect_dma semaphore(%arg12 : memref<!tpu.dma_semaphore, #tpu.memory_space<semaphore_mem>>) src(%dma_wait3A_120 : memref<100000x64xf32, #tpu.memory_space<hbm>>) dst(%dma_wait3A_114 : memref<128x64xf32, #tpu.memory_space<vmem>>)
    %dma_wait3A_121 = arith.constant 2 : i32
    %dma_wait3A_122 = arith.constant 256 : i32
    %dma_wait3A_123 = arith.constant 0 : i32
    %dma_wait3A_124 = tpu.memref_slice %arg9[%dma_wait3A_122, %dma_wait3A_123] : memref<512x64xf32, #tpu.memory_space<vmem>> -> memref<128x64xf32, #tpu.memory_space<vmem>>
    %dma_wait3A_125 = arith.constant 0 : i32
    %dma_wait3A_126 = tpu.memref_slice %arg7[%dma_wait3A_121, %dma_wait3A_125] : memref<4x128xi32, #tpu.memory_space<vmem>> -> memref<1x128xi32, #tpu.memory_space<vmem>>
    %dma_wait3A_127 = tpu.memref_squeeze %dma_wait3A_126 : memref<1x128xi32, #tpu.memory_space<vmem>> -> memref<128xi32, #tpu.memory_space<vmem>>
    %dma_wait3A_128 = arith.constant 0 : i32
    %dma_wait3A_129 = arith.constant 0 : i32
    %dma_wait3A_130 = tpu.memref_slice %arg4[%dma_wait3A_128, %dma_wait3A_129] : memref<100000x64xf32, #tpu.memory_space<hbm>> -> memref<100000x64xf32, #tpu.memory_space<hbm>>
    tpu.wait_indirect_dma semaphore(%arg11 : memref<!tpu.dma_semaphore, #tpu.memory_space<semaphore_mem>>) src(%dma_wait3A_130 : memref<100000x64xf32, #tpu.memory_space<hbm>>) dst(%dma_wait3A_124 : memref<128x64xf32, #tpu.memory_space<vmem>>)
    %dma_wait3A_131 = arith.constant 2 : i32
    %dma_wait3A_132 = arith.constant 256 : i32
    %dma_wait3A_133 = arith.constant 0 : i32
    %dma_wait3A_134 = tpu.memref_slice %arg10[%dma_wait3A_132, %dma_wait3A_133] : memref<512x64xf32, #tpu.memory_space<vmem>> -> memref<128x64xf32, #tpu.memory_space<vmem>>
    %dma_wait3A_135 = arith.constant 0 : i32
    %dma_wait3A_136 = tpu.memref_slice %arg8[%dma_wait3A_131, %dma_wait3A_135] : memref<4x128xi32, #tpu.memory_space<vmem>> -> memref<1x128xi32, #tpu.memory_space<vmem>>
    %dma_wait3A_137 = tpu.memref_squeeze %dma_wait3A_136 : memref<1x128xi32, #tpu.memory_space<vmem>> -> memref<128xi32, #tpu.memory_space<vmem>>
    %dma_wait3A_138 = arith.constant 0 : i32
    %dma_wait3A_139 = arith.constant 0 : i32
    %dma_wait3A_140 = tpu.memref_slice %arg5[%dma_wait3A_138, %dma_wait3A_139] : memref<100000x64xf32, #tpu.memory_space<hbm>> -> memref<100000x64xf32, #tpu.memory_space<hbm>>
    tpu.wait_indirect_dma semaphore(%arg12 : memref<!tpu.dma_semaphore, #tpu.memory_space<semaphore_mem>>) src(%dma_wait3A_140 : memref<100000x64xf32, #tpu.memory_space<hbm>>) dst(%dma_wait3A_134 : memref<128x64xf32, #tpu.memory_space<vmem>>)
    %dma_wait3A_141 = arith.constant 3 : i32
    %dma_wait3A_142 = arith.constant 384 : i32
    %dma_wait3A_143 = arith.constant 0 : i32
    %dma_wait3A_144 = tpu.memref_slice %arg9[%dma_wait3A_142, %dma_wait3A_143] : memref<512x64xf32, #tpu.memory_space<vmem>> -> memref<128x64xf32, #tpu.memory_space<vmem>>
    %dma_wait3A_145 = arith.constant 0 : i32
    %dma_wait3A_146 = tpu.memref_slice %arg7[%dma_wait3A_141, %dma_wait3A_145] : memref<4x128xi32, #tpu.memory_space<vmem>> -> memref<1x128xi32, #tpu.memory_space<vmem>>
    %dma_wait3A_147 = tpu.memref_squeeze %dma_wait3A_146 : memref<1x128xi32, #tpu.memory_space<vmem>> -> memref<128xi32, #tpu.memory_space<vmem>>
    %dma_wait3A_148 = arith.constant 0 : i32
    %dma_wait3A_149 = arith.constant 0 : i32
    %dma_wait3A_150 = tpu.memref_slice %arg4[%dma_wait3A_148, %dma_wait3A_149] : memref<100000x64xf32, #tpu.memory_space<hbm>> -> memref<100000x64xf32, #tpu.memory_space<hbm>>
    tpu.wait_indirect_dma semaphore(%arg11 : memref<!tpu.dma_semaphore, #tpu.memory_space<semaphore_mem>>) src(%dma_wait3A_150 : memref<100000x64xf32, #tpu.memory_space<hbm>>) dst(%dma_wait3A_144 : memref<128x64xf32, #tpu.memory_space<vmem>>)
    %dma_wait3A_151 = arith.constant 3 : i32
    %dma_wait3A_152 = arith.constant 384 : i32
    %dma_wait3A_153 = arith.constant 0 : i32
    %dma_wait3A_154 = tpu.memref_slice %arg10[%dma_wait3A_152, %dma_wait3A_153] : memref<512x64xf32, #tpu.memory_space<vmem>> -> memref<128x64xf32, #tpu.memory_space<vmem>>
    %dma_wait3A_155 = arith.constant 0 : i32
    %dma_wait3A_156 = tpu.memref_slice %arg8[%dma_wait3A_151, %dma_wait3A_155] : memref<4x128xi32, #tpu.memory_space<vmem>> -> memref<1x128xi32, #tpu.memory_space<vmem>>
    %dma_wait3A_157 = tpu.memref_squeeze %dma_wait3A_156 : memref<1x128xi32, #tpu.memory_space<vmem>> -> memref<128xi32, #tpu.memory_space<vmem>>
    %dma_wait3A_158 = arith.constant 0 : i32
    %dma_wait3A_159 = arith.constant 0 : i32
    %dma_wait3A_160 = tpu.memref_slice %arg5[%dma_wait3A_158, %dma_wait3A_159] : memref<100000x64xf32, #tpu.memory_space<hbm>> -> memref<100000x64xf32, #tpu.memory_space<hbm>>
    tpu.wait_indirect_dma semaphore(%arg12 : memref<!tpu.dma_semaphore, #tpu.memory_space<semaphore_mem>>) src(%dma_wait3A_160 : memref<100000x64xf32, #tpu.memory_space<hbm>>) dst(%dma_wait3A_154 : memref<128x64xf32, #tpu.memory_space<vmem>>)
    %scan3A = arith.constant 0 : i32
    %scan3A_161 = arith.constant 0 : i32
    %scan3A_162 = arith.constant 512 : i32
    %scan3A_163 = arith.addi %scan3A_161, %scan3A_162 : i32
    %scan3A_164 = arith.constant 1 : i32
    scf.for %scan3A_217 = %scan3A_161 to %scan3A_163 step %scan3A_164  : i32 {
      %get3A = arith.index_cast %scan3A_217 : i32 to index
      %get3A_218 = arith.constant 0 : index
      %get3A_219 = tpu.vector_load %arg9[%get3A, %get3A_218] {strides = array<i32>} : memref<512x64xf32, #tpu.memory_space<vmem>>, vector<1x16xf32>,
      %get3A_220 = vector.shape_cast %get3A_219 : vector<1x16xf32> to vector<16xf32>
      %get3A_221 = arith.index_cast %scan3A_217 : i32 to index
      %get3A_222 = arith.constant 0 : index
      %get3A_223 = tpu.vector_load %arg10[%get3A_221, %get3A_222] {strides = array<i32>} : memref<512x64xf32, #tpu.memory_space<vmem>>, vector<1x16xf32>,
      %get3A_224 = vector.shape_cast %get3A_223 : vector<1x16xf32> to vector<16xf32>
      %mul3A_225 = arith.mulf %get3A_220, %get3A_224 : vector<16xf32>
      %swap3A = arith.index_cast %scan3A_217 : i32 to index
      %swap3A_226 = arith.constant 0 : index
      %swap3A_227 = tpu.vector_load %arg9[%swap3A, %swap3A_226] {strides = array<i32>} : memref<512x64xf32, #tpu.memory_space<vmem>>, vector<1x16xf32>,
      %swap3A_228 = vector.shape_cast %swap3A_227 : vector<1x16xf32> to vector<16xf32>
      %swap3A_229 = vector.shape_cast %mul3A_225 : vector<16xf32> to vector<1x16xf32>
      tpu.vector_store %arg9[%swap3A, %swap3A_226], %swap3A_229 {strides = array<i32>} : memref<512x64xf32, #tpu.memory_space<vmem>>, vector<1x16xf32>,
      %get3A_230 = arith.index_cast %scan3A_217 : i32 to index
      %get3A_231 = arith.constant 16 : index
      %get3A_232 = tpu.vector_load %arg9[%get3A_230, %get3A_231] {strides = array<i32>} : memref<512x64xf32, #tpu.memory_space<vmem>>, vector<1x16xf32>,
      %get3A_233 = vector.shape_cast %get3A_232 : vector<1x16xf32> to vector<16xf32>
      %get3A_234 = arith.index_cast %scan3A_217 : i32 to index
      %get3A_235 = arith.constant 16 : index
      %get3A_236 = tpu.vector_load %arg10[%get3A_234, %get3A_235] {strides = array<i32>} : memref<512x64xf32, #tpu.memory_space<vmem>>, vector<1x16xf32>,
      %get3A_237 = vector.shape_cast %get3A_236 : vector<1x16xf32> to vector<16xf32>
      %mul3A_238 = arith.mulf %get3A_233, %get3A_237 : vector<16xf32>
      %swap3A_239 = arith.index_cast %scan3A_217 : i32 to index
      %swap3A_240 = arith.constant 16 : index
      %swap3A_241 = tpu.vector_load %arg9[%swap3A_239, %swap3A_240] {strides = array<i32>} : memref<512x64xf32, #tpu.memory_space<vmem>>, vector<1x16xf32>,
      %swap3A_242 = vector.shape_cast %swap3A_241 : vector<1x16xf32> to vector<16xf32>
      %swap3A_243 = vector.shape_cast %mul3A_238 : vector<16xf32> to vector<1x16xf32>
      tpu.vector_store %arg9[%swap3A_239, %swap3A_240], %swap3A_243 {strides = array<i32>} : memref<512x64xf32, #tpu.memory_space<vmem>>, vector<1x16xf32>,
      %get3A_244 = arith.index_cast %scan3A_217 : i32 to index
      %get3A_245 = arith.constant 32 : index
      %get3A_246 = tpu.vector_load %arg9[%get3A_244, %get3A_245] {strides = array<i32>} : memref<512x64xf32, #tpu.memory_space<vmem>>, vector<1x16xf32>,
      %get3A_247 = vector.shape_cast %get3A_246 : vector<1x16xf32> to vector<16xf32>
      %get3A_248 = arith.index_cast %scan3A_217 : i32 to index
      %get3A_249 = arith.constant 32 : index
      %get3A_250 = tpu.vector_load %arg10[%get3A_248, %get3A_249] {strides = array<i32>} : memref<512x64xf32, #tpu.memory_space<vmem>>, vector<1x16xf32>,
      %get3A_251 = vector.shape_cast %get3A_250 : vector<1x16xf32> to vector<16xf32>
      %mul3A_252 = arith.mulf %get3A_247, %get3A_251 : vector<16xf32>
      %swap3A_253 = arith.index_cast %scan3A_217 : i32 to index
      %swap3A_254 = arith.constant 32 : index
      %swap3A_255 = tpu.vector_load %arg9[%swap3A_253, %swap3A_254] {strides = array<i32>} : memref<512x64xf32, #tpu.memory_space<vmem>>, vector<1x16xf32>,
      %swap3A_256 = vector.shape_cast %swap3A_255 : vector<1x16xf32> to vector<16xf32>
      %swap3A_257 = vector.shape_cast %mul3A_252 : vector<16xf32> to vector<1x16xf32>
      tpu.vector_store %arg9[%swap3A_253, %swap3A_254], %swap3A_257 {strides = array<i32>} : memref<512x64xf32, #tpu.memory_space<vmem>>, vector<1x16xf32>,
      %get3A_258 = arith.index_cast %scan3A_217 : i32 to index
      %get3A_259 = arith.constant 48 : index
      %get3A_260 = tpu.vector_load %arg9[%get3A_258, %get3A_259] {strides = array<i32>} : memref<512x64xf32, #tpu.memory_space<vmem>>, vector<1x16xf32>,
      %get3A_261 = vector.shape_cast %get3A_260 : vector<1x16xf32> to vector<16xf32>
      %get3A_262 = arith.index_cast %scan3A_217 : i32 to index
      %get3A_263 = arith.constant 48 : index
      %get3A_264 = tpu.vector_load %arg10[%get3A_262, %get3A_263] {strides = array<i32>} : memref<512x64xf32, #tpu.memory_space<vmem>>, vector<1x16xf32>,
      %get3A_265 = vector.shape_cast %get3A_264 : vector<1x16xf32> to vector<16xf32>
      %mul3A_266 = arith.mulf %get3A_261, %get3A_265 : vector<16xf32>
      %swap3A_267 = arith.index_cast %scan3A_217 : i32 to index
      %swap3A_268 = arith.constant 48 : index
      %swap3A_269 = tpu.vector_load %arg9[%swap3A_267, %swap3A_268] {strides = array<i32>} : memref<512x64xf32, #tpu.memory_space<vmem>>, vector<1x16xf32>,
      %swap3A_270 = vector.shape_cast %swap3A_269 : vector<1x16xf32> to vector<16xf32>
      %swap3A_271 = vector.shape_cast %mul3A_266 : vector<16xf32> to vector<1x16xf32>
      tpu.vector_store %arg9[%swap3A_267, %swap3A_268], %swap3A_271 {strides = array<i32>} : memref<512x64xf32, #tpu.memory_space<vmem>>, vector<1x16xf32>,
    }
    %scan3A_165 = arith.constant 512 : i32
    %rem3A = arith.constant 4 : i32
    %rem3A_166 = arith.remsi %add3A, %rem3A : i32
    %jit3A = arith.constant 4 : i32
    %div3A = arith.divsi %add3A, %jit3A : i32
    %sign3A = arith.constant 0 : i32
    %sign3A_167 = arith.cmpi sgt, %add3A, %sign3A : i32
    %sign3A_168 = arith.extui %sign3A_167 : i1 to i32
    %sign3A_169 = arith.constant 0 : i32
    %sign3A_170 = arith.cmpi slt, %add3A, %sign3A_169 : i32
    %sign3A_171 = arith.extui %sign3A_170 : i1 to i32
    %sign3A_172 = arith.subi %sign3A_168, %sign3A_171 : i32
    %sign3A_173 = arith.constant 0 : i32
    %sign3A_174 = arith.cmpi sgt, %jit3A, %sign3A_173 : i32
    %sign3A_175 = arith.extui %sign3A_174 : i1 to i32
    %sign3A_176 = arith.constant 0 : i32
    %sign3A_177 = arith.cmpi slt, %jit3A, %sign3A_176 : i32
    %sign3A_178 = arith.extui %sign3A_177 : i1 to i32
    %sign3A_179 = arith.subi %sign3A_175, %sign3A_178 : i32
    %ne3A = arith.cmpi ne, %sign3A_172, %sign3A_179 : i32
    %rem3A_180 = arith.remsi %add3A, %jit3A : i32
    %ne3A_181 = arith.constant 0 : i32
    %ne3A_182 = arith.cmpi ne, %rem3A_180, %ne3A_181 : i32
    %and3A = arith.andi %ne3A, %ne3A_182 : i1
    %sub3A = arith.constant 1 : i32
    %sub3A_183 = arith.subi %div3A, %sub3A : i32
    %select_n3A = arith.select %and3A, %sub3A_183, %div3A : i32
    %mul3A_184 = arith.constant 1024 : i32
    %mul3A_185 = arith.muli %select_n3A, %mul3A_184 : i32
    %rem3A_186 = arith.constant 2 : i32
    %rem3A_187 = arith.remsi %add3A, %rem3A_186 : i32
    %mul3A_188 = arith.constant 512 : i32
    %mul3A_189 = arith.muli %rem3A_187, %mul3A_188 : i32
    %add3A_190 = arith.addi %mul3A_185, %mul3A_189 : i32
    %jit3A_191 = arith.constant 2 : i32
    %div3A_192 = arith.divsi %rem3A_166, %jit3A_191 : i32
    %sign3A_193 = arith.constant 0 : i32
    %sign3A_194 = arith.cmpi sgt, %rem3A_166, %sign3A_193 : i32
    %sign3A_195 = arith.extui %sign3A_194 : i1 to i32
    %sign3A_196 = arith.constant 0 : i32
    %sign3A_197 = arith.cmpi slt, %rem3A_166, %sign3A_196 : i32
    %sign3A_198 = arith.extui %sign3A_197 : i1 to i32
    %sign3A_199 = arith.subi %sign3A_195, %sign3A_198 : i32
    %sign3A_200 = arith.constant 0 : i32
    %sign3A_201 = arith.cmpi sgt, %jit3A_191, %sign3A_200 : i32
    %sign3A_202 = arith.extui %sign3A_201 : i1 to i32
    %sign3A_203 = arith.constant 0 : i32
    %sign3A_204 = arith.cmpi slt, %jit3A_191, %sign3A_203 : i32
    %sign3A_205 = arith.extui %sign3A_204 : i1 to i32
    %sign3A_206 = arith.subi %sign3A_202, %sign3A_205 : i32
    %ne3A_207 = arith.cmpi ne, %sign3A_199, %sign3A_206 : i32
    %rem3A_208 = arith.remsi %rem3A_166, %jit3A_191 : i32
    %ne3A_209 = arith.constant 0 : i32
    %ne3A_210 = arith.cmpi ne, %rem3A_208, %ne3A_209 : i32
    %and3A_211 = arith.andi %ne3A_207, %ne3A_210 : i1
    %sub3A_212 = arith.constant 1 : i32
    %sub3A_213 = arith.subi %div3A_192, %sub3A_212 : i32
    %select_n3A_214 = arith.select %and3A_211, %sub3A_213, %div3A_192 : i32
    %mul3A_215 = arith.constant 64 : i32
    %mul3A_216 = arith.muli %select_n3A_214, %mul3A_215 : i32
    "tpu.region"() ({
      %run_scoped3A = tpu.sem_alloc : memref<!tpu.dma_semaphore, #tpu.memory_space<semaphore_mem>>
      %dma_start3A_217 = tpu.memref_slice %arg6[%add3A_190, %mul3A_216] : memref<8192x128xf32, #tpu.memory_space<hbm>> -> memref<512x64xf32, #tpu.memory_space<hbm>>
      %dma_start3A_218 = tpu.memref_slice %arg6[%add3A_190, %mul3A_216] : memref<8192x128xf32, #tpu.memory_space<hbm>> -> memref<512x64xf32, #tpu.memory_space<hbm>>
      tpu.enqueue_dma source(%arg9 : memref<512x64xf32, #tpu.memory_space<vmem>>) target(%dma_start3A_218 : memref<512x64xf32, #tpu.memory_space<hbm>>) target_semaphore(%run_scoped3A : memref<!tpu.dma_semaphore, #tpu.memory_space<semaphore_mem>>)
      %dma_wait3A_219 = tpu.memref_slice %arg6[%add3A_190, %mul3A_216] : memref<8192x128xf32, #tpu.memory_space<hbm>> -> memref<512x64xf32, #tpu.memory_space<hbm>>
      %dma_wait3A_220 = tpu.memref_slice %arg6[%add3A_190, %mul3A_216] : memref<8192x128xf32, #tpu.memory_space<hbm>> -> memref<512x64xf32, #tpu.memory_space<hbm>>
      tpu.wait_dma2 semaphore(%run_scoped3A : memref<!tpu.dma_semaphore, #tpu.memory_space<semaphore_mem>>) src(%arg9 : memref<512x64xf32, #tpu.memory_space<vmem>>) dst(%dma_wait3A_220 : memref<512x64xf32, #tpu.memory_space<hbm>>)
      tpu.yield
    }) : () -> ()
    return
  }
}

module attributes {stable_mosaic.version = 14 : i64} {
  func.func @sig_body(%arg0: memref<1x1000xf32, #tpu.memory_space<vmem>>, %arg1: memref<1x1000xf32, #tpu.memory_space<vmem>>) attributes {dimension_semantics = [], scalar_prefetch = 0 : i64, scratch_operands = 0 : i64, tpu.core_type = #tpu.core_type<tc>} {
    %get3A = arith.constant 0 : index
    %get3A_0 = arith.constant 0 : index
    %get3A_1 = vector.load %arg0[%get3A, %get3A_0] : memref<1x1000xf32, #tpu.memory_space<vmem>>, vector<1x1000xf32>
    %jit3A = arith.constant -2.500000e+00 : f32
    %jit3A_2 = arith.constant 0.000000e+00 : f32
    %max3A = vector.broadcast %jit3A : f32 to vector<1x1000xf32>
    %max3A_3 = arith.maximumf %max3A, %get3A_1 : vector<1x1000xf32>
    %min3A = vector.broadcast %jit3A_2 : f32 to vector<1x1000xf32>
    %min3A_4 = arith.minimumf %min3A, %max3A_3 : vector<1x1000xf32>
    %swap3A = arith.constant 0 : index
    %swap3A_5 = arith.constant 0 : index
    %swap3A_6 = vector.load %arg1[%swap3A, %swap3A_5] : memref<1x1000xf32, #tpu.memory_space<vmem>>, vector<1x1000xf32>
    tpu.vector_store %arg1[%swap3A, %swap3A_5], %min3A_4 {strides = array<i32>} : memref<1x1000xf32, #tpu.memory_space<vmem>>, vector<1x1000xf32>,
    return
  }
}

module attributes {stable_mosaic.version = 14 : i64} {
  func.func @body(%arg0: i32, %arg1: memref<1024x128xf32, #tpu.memory_space<vmem>>, %arg2: memref<1000x128xf32, #tpu.memory_space<vmem>>, %arg3: memref<1000x128xf32, #tpu.memory_space<vmem>>, %arg4: memref<1000x16384xf32, #tpu.memory_space<any>>, %arg5: memref<2000x1024xf32, #tpu.memory_space<vmem>>, %arg6: memref<2x5x!tpu.dma_semaphore, #tpu.memory_space<semaphore_mem>>) attributes {dimension_semantics = [#tpu.dimension_semantics<arbitrary>], iteration_bounds = array<i64: 16>, scalar_prefetch = 0 : i64, scratch_operands = 2 : i64, tpu.core_type = #tpu.core_type<tc>, window_params = [{transform_indices = @transform_0, window_bounds = array<i64: 1024, 128>}, {pipeline_mode = #tpu.pipeline_mode<synchronous>, transform_indices = @transform_1, window_bounds = array<i64: 1000, 128>}, {pipeline_mode = #tpu.pipeline_mode<synchronous>, transform_indices = @transform_2, window_bounds = array<i64: 1000, 128>}, {}]} {
    %ge3A = arith.constant 2 : i32
    %ge3A_0 = arith.cmpi sge, %arg0, %ge3A : i32
    %convert_element_type3A = arith.extui %ge3A_0 : i1 to i32
    %cond3A = arith.constant 0 : i32
    %cond3A_1 = arith.cmpi ne, %convert_element_type3A, %cond3A : i32
    scf.if %cond3A_1 {
      %sub3A = arith.constant 2 : i32
      %sub3A_35 = arith.subi %arg0, %sub3A : i32
      %rem3A_36 = arith.constant 2 : i32
      %rem3A_37 = arith.remsi %sub3A_35, %rem3A_36 : i32
      %eq3A_38 = arith.constant 0 : i32
      %eq3A_39 = arith.cmpi eq, %rem3A_37, %eq3A_38 : i32
      %convert_element_type3A_40 = arith.extui %eq3A_39 : i1 to i32
      %cond3A_41 = arith.constant 0 : i32
      %cond3A_42 = arith.cmpi ne, %convert_element_type3A_40, %cond3A_41 : i32
      scf.if %cond3A_42 {
        %mul3A = arith.constant 1024 : i32
        %mul3A_50 = arith.muli %sub3A_35, %mul3A : i32
        %dma_wait3A = arith.constant 0 : i32
        %dma_wait3A_51 = arith.constant 0 : i32
        %dma_wait3A_52 = tpu.memref_slice %arg6[%dma_wait3A, %dma_wait3A_51] : memref<2x5x!tpu.dma_semaphore, #tpu.memory_space<semaphore_mem>> -> memref<1x1x!tpu.dma_semaphore, #tpu.memory_space<semaphore_mem>>
        %dma_wait3A_53 = tpu.memref_squeeze %dma_wait3A_52 : memref<1x1x!tpu.dma_semaphore, #tpu.memory_space<semaphore_mem>> -> memref<!tpu.dma_semaphore, #tpu.memory_space<semaphore_mem>>
        %dma_wait3A_54 = arith.constant 0 : i32
        %dma_wait3A_55 = tpu.memref_slice %arg4[%dma_wait3A_54, %mul3A_50] : memref<1000x16384xf32, #tpu.memory_space<any>> -> memref<200x1024xf32, #tpu.memory_space<any>>
        %dma_wait3A_56 = arith.constant 0 : i32
        %dma_wait3A_57 = arith.constant 0 : i32
        %dma_wait3A_58 = tpu.memref_slice %arg5[%dma_wait3A_56, %dma_wait3A_57] : memref<2000x1024xf32, #tpu.memory_space<vmem>> -> memref<200x1024xf32, #tpu.memory_space<vmem>>
        tpu.wait_dma2 semaphore(%dma_wait3A_53 : memref<!tpu.dma_semaphore, #tpu.memory_space<semaphore_mem>>) src(%dma_wait3A_58 : memref<200x1024xf32, #tpu.memory_space<vmem>>) dst(%dma_wait3A_55 : memref<200x1024xf32, #tpu.memory_space<any>>)
        %mul3A_59 = arith.constant 1024 : i32
        %mul3A_60 = arith.muli %sub3A_35, %mul3A_59 : i32
        %dma_wait3A_61 = arith.constant 0 : i32
        %dma_wait3A_62 = arith.constant 1 : i32
        %dma_wait3A_63 = tpu.memref_slice %arg6[%dma_wait3A_61, %dma_wait3A_62] : memref<2x5x!tpu.dma_semaphore, #tpu.memory_space<semaphore_mem>> -> memref<1x1x!tpu.dma_semaphore, #tpu.memory_space<semaphore_mem>>
        %dma_wait3A_64 = tpu.memref_squeeze %dma_wait3A_63 : memref<1x1x!tpu.dma_semaphore, #tpu.memory_space<semaphore_mem>> -> memref<!tpu.dma_semaphore, #tpu.memory_space<semaphore_mem>>
        %dma_wait3A_65 = arith.constant 200 : i32
        %dma_wait3A_66 = tpu.memref_slice %arg4[%dma_wait3A_65, %mul3A_60] : memref<1000x16384xf32, #tpu.memory_space<any>> -> memref<200x1024xf32, #tpu.memory_space<any>>
        %dma_wait3A_67 = arith.constant 200 : i32
        %dma_wait3A_68 = arith.constant 0 : i32
        %dma_wait3A_69 = tpu.memref_slice %arg5[%dma_wait3A_67, %dma_wait3A_68] : memref<2000x1024xf32, #tpu.memory_space<vmem>> -> memref<200x1024xf32, #tpu.memory_space<vmem>>
        tpu.wait_dma2 semaphore(%dma_wait3A_64 : memref<!tpu.dma_semaphore, #tpu.memory_space<semaphore_mem>>) src(%dma_wait3A_69 : memref<200x1024xf32, #tpu.memory_space<vmem>>) dst(%dma_wait3A_66 : memref<200x1024xf32, #tpu.memory_space<any>>)
        %mul3A_70 = arith.constant 1024 : i32
        %mul3A_71 = arith.muli %sub3A_35, %mul3A_70 : i32
        %dma_wait3A_72 = arith.constant 0 : i32
        %dma_wait3A_73 = arith.constant 2 : i32
        %dma_wait3A_74 = tpu.memref_slice %arg6[%dma_wait3A_72, %dma_wait3A_73] : memref<2x5x!tpu.dma_semaphore, #tpu.memory_space<semaphore_mem>> -> memref<1x1x!tpu.dma_semaphore, #tpu.memory_space<semaphore_mem>>
        %dma_wait3A_75 = tpu.memref_squeeze %dma_wait3A_74 : memref<1x1x!tpu.dma_semaphore, #tpu.memory_space<semaphore_mem>> -> memref<!tpu.dma_semaphore, #tpu.memory_space<semaphore_mem>>
        %dma_wait3A_76 = arith.constant 400 : i32
        %dma_wait3A_77 = tpu.memref_slice %arg4[%dma_wait3A_76, %mul3A_71] : memref<1000x16384xf32, #tpu.memory_space<any>> -> memref<200x1024xf32, #tpu.memory_space<any>>
        %dma_wait3A_78 = arith.constant 400 : i32
        %dma_wait3A_79 = arith.constant 0 : i32
        %dma_wait3A_80 = tpu.memref_slice %arg5[%dma_wait3A_78, %dma_wait3A_79] : memref<2000x1024xf32, #tpu.memory_space<vmem>> -> memref<200x1024xf32, #tpu.memory_space<vmem>>
        tpu.wait_dma2 semaphore(%dma_wait3A_75 : memref<!tpu.dma_semaphore, #tpu.memory_space<semaphore_mem>>) src(%dma_wait3A_80 : memref<200x1024xf32, #tpu.memory_space<vmem>>) dst(%dma_wait3A_77 : memref<200x1024xf32, #tpu.memory_space<any>>)
        %mul3A_81 = arith.constant 1024 : i32
        %mul3A_82 = arith.muli %sub3A_35, %mul3A_81 : i32
        %dma_wait3A_83 = arith.constant 0 : i32
        %dma_wait3A_84 = arith.constant 3 : i32
        %dma_wait3A_85 = tpu.memref_slice %arg6[%dma_wait3A_83, %dma_wait3A_84] : memref<2x5x!tpu.dma_semaphore, #tpu.memory_space<semaphore_mem>> -> memref<1x1x!tpu.dma_semaphore, #tpu.memory_space<semaphore_mem>>
        %dma_wait3A_86 = tpu.memref_squeeze %dma_wait3A_85 : memref<1x1x!tpu.dma_semaphore, #tpu.memory_space<semaphore_mem>> -> memref<!tpu.dma_semaphore, #tpu.memory_space<semaphore_mem>>
        %dma_wait3A_87 = arith.constant 600 : i32
        %dma_wait3A_88 = tpu.memref_slice %arg4[%dma_wait3A_87, %mul3A_82] : memref<1000x16384xf32, #tpu.memory_space<any>> -> memref<200x1024xf32, #tpu.memory_space<any>>
        %dma_wait3A_89 = arith.constant 600 : i32
        %dma_wait3A_90 = arith.constant 0 : i32
        %dma_wait3A_91 = tpu.memref_slice %arg5[%dma_wait3A_89, %dma_wait3A_90] : memref<2000x1024xf32, #tpu.memory_space<vmem>> -> memref<200x1024xf32, #tpu.memory_space<vmem>>
        tpu.wait_dma2 semaphore(%dma_wait3A_86 : memref<!tpu.dma_semaphore, #tpu.memory_space<semaphore_mem>>) src(%dma_wait3A_91 : memref<200x1024xf32, #tpu.memory_space<vmem>>) dst(%dma_wait3A_88 : memref<200x1024xf32, #tpu.memory_space<any>>)
        %mul3A_92 = arith.constant 1024 : i32
        %mul3A_93 = arith.muli %sub3A_35, %mul3A_92 : i32
        %dma_wait3A_94 = arith.constant 0 : i32
        %dma_wait3A_95 = arith.constant 4 : i32
        %dma_wait3A_96 = tpu.memref_slice %arg6[%dma_wait3A_94, %dma_wait3A_95] : memref<2x5x!tpu.dma_semaphore, #tpu.memory_space<semaphore_mem>> -> memref<1x1x!tpu.dma_semaphore, #tpu.memory_space<semaphore_mem>>
        %dma_wait3A_97 = tpu.memref_squeeze %dma_wait3A_96 : memref<1x1x!tpu.dma_semaphore, #tpu.memory_space<semaphore_mem>> -> memref<!tpu.dma_semaphore, #tpu.memory_space<semaphore_mem>>
        %dma_wait3A_98 = arith.constant 800 : i32
        %dma_wait3A_99 = tpu.memref_slice %arg4[%dma_wait3A_98, %mul3A_93] : memref<1000x16384xf32, #tpu.memory_space<any>> -> memref<200x1024xf32, #tpu.memory_space<any>>
        %dma_wait3A_100 = arith.constant 800 : i32
        %dma_wait3A_101 = arith.constant 0 : i32
        %dma_wait3A_102 = tpu.memref_slice %arg5[%dma_wait3A_100, %dma_wait3A_101] : memref<2000x1024xf32, #tpu.memory_space<vmem>> -> memref<200x1024xf32, #tpu.memory_space<vmem>>
        tpu.wait_dma2 semaphore(%dma_wait3A_97 : memref<!tpu.dma_semaphore, #tpu.memory_space<semaphore_mem>>) src(%dma_wait3A_102 : memref<200x1024xf32, #tpu.memory_space<vmem>>) dst(%dma_wait3A_99 : memref<200x1024xf32, #tpu.memory_space<any>>)
      } else {
      }
      %rem3A_43 = arith.constant 2 : i32
      %rem3A_44 = arith.remsi %sub3A_35, %rem3A_43 : i32
      %eq3A_45 = arith.constant 1 : i32
      %eq3A_46 = arith.cmpi eq, %rem3A_44, %eq3A_45 : i32
      %convert_element_type3A_47 = arith.extui %eq3A_46 : i1 to i32
      %cond3A_48 = arith.constant 0 : i32
      %cond3A_49 = arith.cmpi ne, %convert_element_type3A_47, %cond3A_48 : i32
      scf.if %cond3A_49 {
        %mul3A = arith.constant 1024 : i32
        %mul3A_50 = arith.muli %sub3A_35, %mul3A : i32
        %dma_wait3A = arith.constant 1 : i32
        %dma_wait3A_51 = arith.constant 0 : i32
        %dma_wait3A_52 = tpu.memref_slice %arg6[%dma_wait3A, %dma_wait3A_51] : memref<2x5x!tpu.dma_semaphore, #tpu.memory_space<semaphore_mem>> -> memref<1x1x!tpu.dma_semaphore, #tpu.memory_space<semaphore_mem>>
        %dma_wait3A_53 = tpu.memref_squeeze %dma_wait3A_52 : memref<1x1x!tpu.dma_semaphore, #tpu.memory_space<semaphore_mem>> -> memref<!tpu.dma_semaphore, #tpu.memory_space<semaphore_mem>>
        %dma_wait3A_54 = arith.constant 0 : i32
        %dma_wait3A_55 = tpu.memref_slice %arg4[%dma_wait3A_54, %mul3A_50] : memref<1000x16384xf32, #tpu.memory_space<any>> -> memref<200x1024xf32, #tpu.memory_space<any>>
        %dma_wait3A_56 = arith.constant 1000 : i32
        %dma_wait3A_57 = arith.constant 0 : i32
        %dma_wait3A_58 = tpu.memref_slice %arg5[%dma_wait3A_56, %dma_wait3A_57] : memref<2000x1024xf32, #tpu.memory_space<vmem>> -> memref<200x1024xf32, #tpu.memory_space<vmem>>
        tpu.wait_dma2 semaphore(%dma_wait3A_53 : memref<!tpu.dma_semaphore, #tpu.memory_space<semaphore_mem>>) src(%dma_wait3A_58 : memref<200x1024xf32, #tpu.memory_space<vmem>>) dst(%dma_wait3A_55 : memref<200x1024xf32, #tpu.memory_space<any>>)
        %mul3A_59 = arith.constant 1024 : i32
        %mul3A_60 = arith.muli %sub3A_35, %mul3A_59 : i32
        %dma_wait3A_61 = arith.constant 1 : i32
        %dma_wait3A_62 = arith.constant 1 : i32
        %dma_wait3A_63 = tpu.memref_slice %arg6[%dma_wait3A_61, %dma_wait3A_62] : memref<2x5x!tpu.dma_semaphore, #tpu.memory_space<semaphore_mem>> -> memref<1x1x!tpu.dma_semaphore, #tpu.memory_space<semaphore_mem>>
        %dma_wait3A_64 = tpu.memref_squeeze %dma_wait3A_63 : memref<1x1x!tpu.dma_semaphore, #tpu.memory_space<semaphore_mem>> -> memref<!tpu.dma_semaphore, #tpu.memory_space<semaphore_mem>>
        %dma_wait3A_65 = arith.constant 200 : i32
        %dma_wait3A_66 = tpu.memref_slice %arg4[%dma_wait3A_65, %mul3A_60] : memref<1000x16384xf32, #tpu.memory_space<any>> -> memref<200x1024xf32, #tpu.memory_space<any>>
        %dma_wait3A_67 = arith.constant 1200 : i32
        %dma_wait3A_68 = arith.constant 0 : i32
        %dma_wait3A_69 = tpu.memref_slice %arg5[%dma_wait3A_67, %dma_wait3A_68] : memref<2000x1024xf32, #tpu.memory_space<vmem>> -> memref<200x1024xf32, #tpu.memory_space<vmem>>
        tpu.wait_dma2 semaphore(%dma_wait3A_64 : memref<!tpu.dma_semaphore, #tpu.memory_space<semaphore_mem>>) src(%dma_wait3A_69 : memref<200x1024xf32, #tpu.memory_space<vmem>>) dst(%dma_wait3A_66 : memref<200x1024xf32, #tpu.memory_space<any>>)
        %mul3A_70 = arith.constant 1024 : i32
        %mul3A_71 = arith.muli %sub3A_35, %mul3A_70 : i32
        %dma_wait3A_72 = arith.constant 1 : i32
        %dma_wait3A_73 = arith.constant 2 : i32
        %dma_wait3A_74 = tpu.memref_slice %arg6[%dma_wait3A_72, %dma_wait3A_73] : memref<2x5x!tpu.dma_semaphore, #tpu.memory_space<semaphore_mem>> -> memref<1x1x!tpu.dma_semaphore, #tpu.memory_space<semaphore_mem>>
        %dma_wait3A_75 = tpu.memref_squeeze %dma_wait3A_74 : memref<1x1x!tpu.dma_semaphore, #tpu.memory_space<semaphore_mem>> -> memref<!tpu.dma_semaphore, #tpu.memory_space<semaphore_mem>>
        %dma_wait3A_76 = arith.constant 400 : i32
        %dma_wait3A_77 = tpu.memref_slice %arg4[%dma_wait3A_76, %mul3A_71] : memref<1000x16384xf32, #tpu.memory_space<any>> -> memref<200x1024xf32, #tpu.memory_space<any>>
        %dma_wait3A_78 = arith.constant 1400 : i32
        %dma_wait3A_79 = arith.constant 0 : i32
        %dma_wait3A_80 = tpu.memref_slice %arg5[%dma_wait3A_78, %dma_wait3A_79] : memref<2000x1024xf32, #tpu.memory_space<vmem>> -> memref<200x1024xf32, #tpu.memory_space<vmem>>
        tpu.wait_dma2 semaphore(%dma_wait3A_75 : memref<!tpu.dma_semaphore, #tpu.memory_space<semaphore_mem>>) src(%dma_wait3A_80 : memref<200x1024xf32, #tpu.memory_space<vmem>>) dst(%dma_wait3A_77 : memref<200x1024xf32, #tpu.memory_space<any>>)
        %mul3A_81 = arith.constant 1024 : i32
        %mul3A_82 = arith.muli %sub3A_35, %mul3A_81 : i32
        %dma_wait3A_83 = arith.constant 1 : i32
        %dma_wait3A_84 = arith.constant 3 : i32
        %dma_wait3A_85 = tpu.memref_slice %arg6[%dma_wait3A_83, %dma_wait3A_84] : memref<2x5x!tpu.dma_semaphore, #tpu.memory_space<semaphore_mem>> -> memref<1x1x!tpu.dma_semaphore, #tpu.memory_space<semaphore_mem>>
        %dma_wait3A_86 = tpu.memref_squeeze %dma_wait3A_85 : memref<1x1x!tpu.dma_semaphore, #tpu.memory_space<semaphore_mem>> -> memref<!tpu.dma_semaphore, #tpu.memory_space<semaphore_mem>>
        %dma_wait3A_87 = arith.constant 600 : i32
        %dma_wait3A_88 = tpu.memref_slice %arg4[%dma_wait3A_87, %mul3A_82] : memref<1000x16384xf32, #tpu.memory_space<any>> -> memref<200x1024xf32, #tpu.memory_space<any>>
        %dma_wait3A_89 = arith.constant 1600 : i32
        %dma_wait3A_90 = arith.constant 0 : i32
        %dma_wait3A_91 = tpu.memref_slice %arg5[%dma_wait3A_89, %dma_wait3A_90] : memref<2000x1024xf32, #tpu.memory_space<vmem>> -> memref<200x1024xf32, #tpu.memory_space<vmem>>
        tpu.wait_dma2 semaphore(%dma_wait3A_86 : memref<!tpu.dma_semaphore, #tpu.memory_space<semaphore_mem>>) src(%dma_wait3A_91 : memref<200x1024xf32, #tpu.memory_space<vmem>>) dst(%dma_wait3A_88 : memref<200x1024xf32, #tpu.memory_space<any>>)
        %mul3A_92 = arith.constant 1024 : i32
        %mul3A_93 = arith.muli %sub3A_35, %mul3A_92 : i32
        %dma_wait3A_94 = arith.constant 1 : i32
        %dma_wait3A_95 = arith.constant 4 : i32
        %dma_wait3A_96 = tpu.memref_slice %arg6[%dma_wait3A_94, %dma_wait3A_95] : memref<2x5x!tpu.dma_semaphore, #tpu.memory_space<semaphore_mem>> -> memref<1x1x!tpu.dma_semaphore, #tpu.memory_space<semaphore_mem>>
        %dma_wait3A_97 = tpu.memref_squeeze %dma_wait3A_96 : memref<1x1x!tpu.dma_semaphore, #tpu.memory_space<semaphore_mem>> -> memref<!tpu.dma_semaphore, #tpu.memory_space<semaphore_mem>>
        %dma_wait3A_98 = arith.constant 800 : i32
        %dma_wait3A_99 = tpu.memref_slice %arg4[%dma_wait3A_98, %mul3A_93] : memref<1000x16384xf32, #tpu.memory_space<any>> -> memref<200x1024xf32, #tpu.memory_space<any>>
        %dma_wait3A_100 = arith.constant 1800 : i32
        %dma_wait3A_101 = arith.constant 0 : i32
        %dma_wait3A_102 = tpu.memref_slice %arg5[%dma_wait3A_100, %dma_wait3A_101] : memref<2000x1024xf32, #tpu.memory_space<vmem>> -> memref<200x1024xf32, #tpu.memory_space<vmem>>
        tpu.wait_dma2 semaphore(%dma_wait3A_97 : memref<!tpu.dma_semaphore, #tpu.memory_space<semaphore_mem>>) src(%dma_wait3A_102 : memref<200x1024xf32, #tpu.memory_space<vmem>>) dst(%dma_wait3A_99 : memref<200x1024xf32, #tpu.memory_space<any>>)
      } else {
      }
    } else {
    }
    %get3A = arith.constant 0 : index
    %get3A_2 = arith.constant 0 : index
    %get3A_3 = vector.load %arg1[%get3A, %get3A_2] : memref<1024x128xf32, #tpu.memory_space<vmem>>, vector<1024x128xf32>
    %rem3A = arith.constant 2 : i32
    %rem3A_4 = arith.remsi %arg0, %rem3A : i32
    %eq3A = arith.constant 0 : i32
    %eq3A_5 = arith.cmpi eq, %rem3A_4, %eq3A : i32
    %convert_element_type3A_6 = arith.extui %eq3A_5 : i1 to i32
    %cond3A_7 = arith.constant 0 : i32
    %cond3A_8 = arith.cmpi ne, %convert_element_type3A_6, %cond3A_7 : i32
    scf.if %cond3A_8 {
      %get3A_35 = arith.constant 0 : index
      %get3A_36 = arith.constant 0 : index
      %get3A_37 = vector.load %arg2[%get3A_35, %get3A_36] : memref<1000x128xf32, #tpu.memory_space<vmem>>, vector<1000x128xf32>
      %dot_general3A = arith.constant dense<0.000000e+00> : vector<1000x1024xf32>
      %dot_general3A_38 = tpu.matmul %get3A_37, %get3A_3, %dot_general3A {dimension_numbers = #tpu.dot_dimension_numbers<[1], [1], [0], [0], [0, 0, 1, 0], [], []>, transpose_lhs_hint = false} : vector<1000x128xf32>, vector<1024x128xf32>, vector<1000x1024xf32> -> vector<1000x1024xf32>
      %swap3A = arith.constant 0 : index
      %swap3A_39 = arith.constant 0 : index
      %swap3A_40 = vector.load %arg5[%swap3A, %swap3A_39] : memref<2000x1024xf32, #tpu.memory_space<vmem>>, vector<1000x1024xf32>
      tpu.vector_store %arg5[%swap3A, %swap3A_39], %dot_general3A_38 {strides = array<i32>} : memref<2000x1024xf32, #tpu.memory_space<vmem>>, vector<1000x1024xf32>,
    } else {
    }
    %rem3A_9 = arith.constant 2 : i32
    %rem3A_10 = arith.remsi %arg0, %rem3A_9 : i32
    %eq3A_11 = arith.constant 1 : i32
    %eq3A_12 = arith.cmpi eq, %rem3A_10, %eq3A_11 : i32
    %convert_element_type3A_13 = arith.extui %eq3A_12 : i1 to i32
    %cond3A_14 = arith.constant 0 : i32
    %cond3A_15 = arith.cmpi ne, %convert_element_type3A_13, %cond3A_14 : i32
    scf.if %cond3A_15 {
      %get3A_35 = arith.constant 0 : index
      %get3A_36 = arith.constant 0 : index
      %get3A_37 = vector.load %arg3[%get3A_35, %get3A_36] : memref<1000x128xf32, #tpu.memory_space<vmem>>, vector<1000x128xf32>
      %dot_general3A = arith.constant dense<0.000000e+00> : vector<1000x1024xf32>
      %dot_general3A_38 = tpu.matmul %get3A_37, %get3A_3, %dot_general3A {dimension_numbers = #tpu.dot_dimension_numbers<[1], [1], [0], [0], [0, 0, 1, 0], [], []>, transpose_lhs_hint = false} : vector<1000x128xf32>, vector<1024x128xf32>, vector<1000x1024xf32> -> vector<1000x1024xf32>
      %swap3A = arith.constant 1000 : index
      %swap3A_39 = arith.constant 0 : index
      %swap3A_40 = vector.load %arg5[%swap3A, %swap3A_39] : memref<2000x1024xf32, #tpu.memory_space<vmem>>, vector<1000x1024xf32>
      tpu.vector_store %arg5[%swap3A, %swap3A_39], %dot_general3A_38 {strides = array<i32>} : memref<2000x1024xf32, #tpu.memory_space<vmem>>, vector<1000x1024xf32>,
    } else {
    }
    %rem3A_16 = arith.constant 2 : i32
    %rem3A_17 = arith.remsi %arg0, %rem3A_16 : i32
    %eq3A_18 = arith.constant 0 : i32
    %eq3A_19 = arith.cmpi eq, %rem3A_17, %eq3A_18 : i32
    %convert_element_type3A_20 = arith.extui %eq3A_19 : i1 to i32
    %cond3A_21 = arith.constant 0 : i32
    %cond3A_22 = arith.cmpi ne, %convert_element_type3A_20, %cond3A_21 : i32
    scf.if %cond3A_22 {
      %mul3A = arith.constant 1024 : i32
      %mul3A_35 = arith.muli %arg0, %mul3A : i32
      %dma_start3A = arith.constant 0 : i32
      %dma_start3A_36 = arith.constant 0 : i32
      %dma_start3A_37 = tpu.memref_slice %arg6[%dma_start3A, %dma_start3A_36] : memref<2x5x!tpu.dma_semaphore, #tpu.memory_space<semaphore_mem>> -> memref<1x1x!tpu.dma_semaphore, #tpu.memory_space<semaphore_mem>>
      %dma_start3A_38 = tpu.memref_squeeze %dma_start3A_37 : memref<1x1x!tpu.dma_semaphore, #tpu.memory_space<semaphore_mem>> -> memref<!tpu.dma_semaphore, #tpu.memory_space<semaphore_mem>>
      %dma_start3A_39 = arith.constant 0 : i32
      %dma_start3A_40 = tpu.memref_slice %arg4[%dma_start3A_39, %mul3A_35] : memref<1000x16384xf32, #tpu.memory_space<any>> -> memref<200x1024xf32, #tpu.memory_space<any>>
      %dma_start3A_41 = arith.constant 0 : i32
      %dma_start3A_42 = arith.constant 0 : i32
      %dma_start3A_43 = tpu.memref_slice %arg5[%dma_start3A_41, %dma_start3A_42] : memref<2000x1024xf32, #tpu.memory_space<vmem>> -> memref<200x1024xf32, #tpu.memory_space<vmem>>
      tpu.enqueue_dma source(%dma_start3A_43 : memref<200x1024xf32, #tpu.memory_space<vmem>>) target(%dma_start3A_40 : memref<200x1024xf32, #tpu.memory_space<any>>) target_semaphore(%dma_start3A_38 : memref<!tpu.dma_semaphore, #tpu.memory_space<semaphore_mem>>)
      %mul3A_44 = arith.constant 1024 : i32
      %mul3A_45 = arith.muli %arg0, %mul3A_44 : i32
      %dma_start3A_46 = arith.constant 0 : i32
      %dma_start3A_47 = arith.constant 1 : i32
      %dma_start3A_48 = tpu.memref_slice %arg6[%dma_start3A_46, %dma_start3A_47] : memref<2x5x!tpu.dma_semaphore, #tpu.memory_space<semaphore_mem>> -> memref<1x1x!tpu.dma_semaphore, #tpu.memory_space<semaphore_mem>>
      %dma_start3A_49 = tpu.memref_squeeze %dma_start3A_48 : memref<1x1x!tpu.dma_semaphore, #tpu.memory_space<semaphore_mem>> -> memref<!tpu.dma_semaphore, #tpu.memory_space<semaphore_mem>>
      %dma_start3A_50 = arith.constant 200 : i32
      %dma_start3A_51 = tpu.memref_slice %arg4[%dma_start3A_50, %mul3A_45] : memref<1000x16384xf32, #tpu.memory_space<any>> -> memref<200x1024xf32, #tpu.memory_space<any>>
      %dma_start3A_52 = arith.constant 200 : i32
      %dma_start3A_53 = arith.constant 0 : i32
      %dma_start3A_54 = tpu.memref_slice %arg5[%dma_start3A_52, %dma_start3A_53] : memref<2000x1024xf32, #tpu.memory_space<vmem>> -> memref<200x1024xf32, #tpu.memory_space<vmem>>
      tpu.enqueue_dma source(%dma_start3A_54 : memref<200x1024xf32, #tpu.memory_space<vmem>>) target(%dma_start3A_51 : memref<200x1024xf32, #tpu.memory_space<any>>) target_semaphore(%dma_start3A_49 : memref<!tpu.dma_semaphore, #tpu.memory_space<semaphore_mem>>)
      %mul3A_55 = arith.constant 1024 : i32
      %mul3A_56 = arith.muli %arg0, %mul3A_55 : i32
      %dma_start3A_57 = arith.constant 0 : i32
      %dma_start3A_58 = arith.constant 2 : i32
      %dma_start3A_59 = tpu.memref_slice %arg6[%dma_start3A_57, %dma_start3A_58] : memref<2x5x!tpu.dma_semaphore, #tpu.memory_space<semaphore_mem>> -> memref<1x1x!tpu.dma_semaphore, #tpu.memory_space<semaphore_mem>>
      %dma_start3A_60 = tpu.memref_squeeze %dma_start3A_59 : memref<1x1x!tpu.dma_semaphore, #tpu.memory_space<semaphore_mem>> -> memref<!tpu.dma_semaphore, #tpu.memory_space<semaphore_mem>>
      %dma_start3A_61 = arith.constant 400 : i32
      %dma_start3A_62 = tpu.memref_slice %arg4[%dma_start3A_61, %mul3A_56] : memref<1000x16384xf32, #tpu.memory_space<any>> -> memref<200x1024xf32, #tpu.memory_space<any>>
      %dma_start3A_63 = arith.constant 400 : i32
      %dma_start3A_64 = arith.constant 0 : i32
      %dma_start3A_65 = tpu.memref_slice %arg5[%dma_start3A_63, %dma_start3A_64] : memref<2000x1024xf32, #tpu.memory_space<vmem>> -> memref<200x1024xf32, #tpu.memory_space<vmem>>
      tpu.enqueue_dma source(%dma_start3A_65 : memref<200x1024xf32, #tpu.memory_space<vmem>>) target(%dma_start3A_62 : memref<200x1024xf32, #tpu.memory_space<any>>) target_semaphore(%dma_start3A_60 : memref<!tpu.dma_semaphore, #tpu.memory_space<semaphore_mem>>)
      %mul3A_66 = arith.constant 1024 : i32
      %mul3A_67 = arith.muli %arg0, %mul3A_66 : i32
      %dma_start3A_68 = arith.constant 0 : i32
      %dma_start3A_69 = arith.constant 3 : i32
      %dma_start3A_70 = tpu.memref_slice %arg6[%dma_start3A_68, %dma_start3A_69] : memref<2x5x!tpu.dma_semaphore, #tpu.memory_space<semaphore_mem>> -> memref<1x1x!tpu.dma_semaphore, #tpu.memory_space<semaphore_mem>>
      %dma_start3A_71 = tpu.memref_squeeze %dma_start3A_70 : memref<1x1x!tpu.dma_semaphore, #tpu.memory_space<semaphore_mem>> -> memref<!tpu.dma_semaphore, #tpu.memory_space<semaphore_mem>>
      %dma_start3A_72 = arith.constant 600 : i32
      %dma_start3A_73 = tpu.memref_slice %arg4[%dma_start3A_72, %mul3A_67] : memref<1000x16384xf32, #tpu.memory_space<any>> -> memref<200x1024xf32, #tpu.memory_space<any>>
      %dma_start3A_74 = arith.constant 600 : i32
      %dma_start3A_75 = arith.constant 0 : i32
      %dma_start3A_76 = tpu.memref_slice %arg5[%dma_start3A_74, %dma_start3A_75] : memref<2000x1024xf32, #tpu.memory_space<vmem>> -> memref<200x1024xf32, #tpu.memory_space<vmem>>
      tpu.enqueue_dma source(%dma_start3A_76 : memref<200x1024xf32, #tpu.memory_space<vmem>>) target(%dma_start3A_73 : memref<200x1024xf32, #tpu.memory_space<any>>) target_semaphore(%dma_start3A_71 : memref<!tpu.dma_semaphore, #tpu.memory_space<semaphore_mem>>)
      %mul3A_77 = arith.constant 1024 : i32
      %mul3A_78 = arith.muli %arg0, %mul3A_77 : i32
      %dma_start3A_79 = arith.constant 0 : i32
      %dma_start3A_80 = arith.constant 4 : i32
      %dma_start3A_81 = tpu.memref_slice %arg6[%dma_start3A_79, %dma_start3A_80] : memref<2x5x!tpu.dma_semaphore, #tpu.memory_space<semaphore_mem>> -> memref<1x1x!tpu.dma_semaphore, #tpu.memory_space<semaphore_mem>>
      %dma_start3A_82 = tpu.memref_squeeze %dma_start3A_81 : memref<1x1x!tpu.dma_semaphore, #tpu.memory_space<semaphore_mem>> -> memref<!tpu.dma_semaphore, #tpu.memory_space<semaphore_mem>>
      %dma_start3A_83 = arith.constant 800 : i32
      %dma_start3A_84 = tpu.memref_slice %arg4[%dma_start3A_83, %mul3A_78] : memref<1000x16384xf32, #tpu.memory_space<any>> -> memref<200x1024xf32, #tpu.memory_space<any>>
      %dma_start3A_85 = arith.constant 800 : i32
      %dma_start3A_86 = arith.constant 0 : i32
      %dma_start3A_87 = tpu.memref_slice %arg5[%dma_start3A_85, %dma_start3A_86] : memref<2000x1024xf32, #tpu.memory_space<vmem>> -> memref<200x1024xf32, #tpu.memory_space<vmem>>
      tpu.enqueue_dma source(%dma_start3A_87 : memref<200x1024xf32, #tpu.memory_space<vmem>>) target(%dma_start3A_84 : memref<200x1024xf32, #tpu.memory_space<any>>) target_semaphore(%dma_start3A_82 : memref<!tpu.dma_semaphore, #tpu.memory_space<semaphore_mem>>)
    } else {
    }
    %rem3A_23 = arith.constant 2 : i32
    %rem3A_24 = arith.remsi %arg0, %rem3A_23 : i32
    %eq3A_25 = arith.constant 1 : i32
    %eq3A_26 = arith.cmpi eq, %rem3A_24, %eq3A_25 : i32
    %convert_element_type3A_27 = arith.extui %eq3A_26 : i1 to i32
    %cond3A_28 = arith.constant 0 : i32
    %cond3A_29 = arith.cmpi ne, %convert_element_type3A_27, %cond3A_28 : i32
    scf.if %cond3A_29 {
      %mul3A = arith.constant 1024 : i32
      %mul3A_35 = arith.muli %arg0, %mul3A : i32
      %dma_start3A = arith.constant 1 : i32
      %dma_start3A_36 = arith.constant 0 : i32
      %dma_start3A_37 = tpu.memref_slice %arg6[%dma_start3A, %dma_start3A_36] : memref<2x5x!tpu.dma_semaphore, #tpu.memory_space<semaphore_mem>> -> memref<1x1x!tpu.dma_semaphore, #tpu.memory_space<semaphore_mem>>
      %dma_start3A_38 = tpu.memref_squeeze %dma_start3A_37 : memref<1x1x!tpu.dma_semaphore, #tpu.memory_space<semaphore_mem>> -> memref<!tpu.dma_semaphore, #tpu.memory_space<semaphore_mem>>
      %dma_start3A_39 = arith.constant 0 : i32
      %dma_start3A_40 = tpu.memref_slice %arg4[%dma_start3A_39, %mul3A_35] : memref<1000x16384xf32, #tpu.memory_space<any>> -> memref<200x1024xf32, #tpu.memory_space<any>>
      %dma_start3A_41 = arith.constant 1000 : i32
      %dma_start3A_42 = arith.constant 0 : i32
      %dma_start3A_43 = tpu.memref_slice %arg5[%dma_start3A_41, %dma_start3A_42] : memref<2000x1024xf32, #tpu.memory_space<vmem>> -> memref<200x1024xf32, #tpu.memory_space<vmem>>
      tpu.enqueue_dma source(%dma_start3A_43 : memref<200x1024xf32, #tpu.memory_space<vmem>>) target(%dma_start3A_40 : memref<200x1024xf32, #tpu.memory_space<any>>) target_semaphore(%dma_start3A_38 : memref<!tpu.dma_semaphore, #tpu.memory_space<semaphore_mem>>)
      %mul3A_44 = arith.constant 1024 : i32
      %mul3A_45 = arith.muli %arg0, %mul3A_44 : i32
      %dma_start3A_46 = arith.constant 1 : i32
      %dma_start3A_47 = arith.constant 1 : i32
      %dma_start3A_48 = tpu.memref_slice %arg6[%dma_start3A_46, %dma_start3A_47] : memref<2x5x!tpu.dma_semaphore, #tpu.memory_space<semaphore_mem>> -> memref<1x1x!tpu.dma_semaphore, #tpu.memory_space<semaphore_mem>>
      %dma_start3A_49 = tpu.memref_squeeze %dma_start3A_48 : memref<1x1x!tpu.dma_semaphore, #tpu.memory_space<semaphore_mem>> -> memref<!tpu.dma_semaphore, #tpu.memory_space<semaphore_mem>>
      %dma_start3A_50 = arith.constant 200 : i32
      %dma_start3A_51 = tpu.memref_slice %arg4[%dma_start3A_50, %mul3A_45] : memref<1000x16384xf32, #tpu.memory_space<any>> -> memref<200x1024xf32, #tpu.memory_space<any>>
      %dma_start3A_52 = arith.constant 1200 : i32
      %dma_start3A_53 = arith.constant 0 : i32
      %dma_start3A_54 = tpu.memref_slice %arg5[%dma_start3A_52, %dma_start3A_53] : memref<2000x1024xf32, #tpu.memory_space<vmem>> -> memref<200x1024xf32, #tpu.memory_space<vmem>>
      tpu.enqueue_dma source(%dma_start3A_54 : memref<200x1024xf32, #tpu.memory_space<vmem>>) target(%dma_start3A_51 : memref<200x1024xf32, #tpu.memory_space<any>>) target_semaphore(%dma_start3A_49 : memref<!tpu.dma_semaphore, #tpu.memory_space<semaphore_mem>>)
      %mul3A_55 = arith.constant 1024 : i32
      %mul3A_56 = arith.muli %arg0, %mul3A_55 : i32
      %dma_start3A_57 = arith.constant 1 : i32
      %dma_start3A_58 = arith.constant 2 : i32
      %dma_start3A_59 = tpu.memref_slice %arg6[%dma_start3A_57, %dma_start3A_58] : memref<2x5x!tpu.dma_semaphore, #tpu.memory_space<semaphore_mem>> -> memref<1x1x!tpu.dma_semaphore, #tpu.memory_space<semaphore_mem>>
      %dma_start3A_60 = tpu.memref_squeeze %dma_start3A_59 : memref<1x1x!tpu.dma_semaphore, #tpu.memory_space<semaphore_mem>> -> memref<!tpu.dma_semaphore, #tpu.memory_space<semaphore_mem>>
      %dma_start3A_61 = arith.constant 400 : i32
      %dma_start3A_62 = tpu.memref_slice %arg4[%dma_start3A_61, %mul3A_56] : memref<1000x16384xf32, #tpu.memory_space<any>> -> memref<200x1024xf32, #tpu.memory_space<any>>
      %dma_start3A_63 = arith.constant 1400 : i32
      %dma_start3A_64 = arith.constant 0 : i32
      %dma_start3A_65 = tpu.memref_slice %arg5[%dma_start3A_63, %dma_start3A_64] : memref<2000x1024xf32, #tpu.memory_space<vmem>> -> memref<200x1024xf32, #tpu.memory_space<vmem>>
      tpu.enqueue_dma source(%dma_start3A_65 : memref<200x1024xf32, #tpu.memory_space<vmem>>) target(%dma_start3A_62 : memref<200x1024xf32, #tpu.memory_space<any>>) target_semaphore(%dma_start3A_60 : memref<!tpu.dma_semaphore, #tpu.memory_space<semaphore_mem>>)
      %mul3A_66 = arith.constant 1024 : i32
      %mul3A_67 = arith.muli %arg0, %mul3A_66 : i32
      %dma_start3A_68 = arith.constant 1 : i32
      %dma_start3A_69 = arith.constant 3 : i32
      %dma_start3A_70 = tpu.memref_slice %arg6[%dma_start3A_68, %dma_start3A_69] : memref<2x5x!tpu.dma_semaphore, #tpu.memory_space<semaphore_mem>> -> memref<1x1x!tpu.dma_semaphore, #tpu.memory_space<semaphore_mem>>
      %dma_start3A_71 = tpu.memref_squeeze %dma_start3A_70 : memref<1x1x!tpu.dma_semaphore, #tpu.memory_space<semaphore_mem>> -> memref<!tpu.dma_semaphore, #tpu.memory_space<semaphore_mem>>
      %dma_start3A_72 = arith.constant 600 : i32
      %dma_start3A_73 = tpu.memref_slice %arg4[%dma_start3A_72, %mul3A_67] : memref<1000x16384xf32, #tpu.memory_space<any>> -> memref<200x1024xf32, #tpu.memory_space<any>>
      %dma_start3A_74 = arith.constant 1600 : i32
      %dma_start3A_75 = arith.constant 0 : i32
      %dma_start3A_76 = tpu.memref_slice %arg5[%dma_start3A_74, %dma_start3A_75] : memref<2000x1024xf32, #tpu.memory_space<vmem>> -> memref<200x1024xf32, #tpu.memory_space<vmem>>
      tpu.enqueue_dma source(%dma_start3A_76 : memref<200x1024xf32, #tpu.memory_space<vmem>>) target(%dma_start3A_73 : memref<200x1024xf32, #tpu.memory_space<any>>) target_semaphore(%dma_start3A_71 : memref<!tpu.dma_semaphore, #tpu.memory_space<semaphore_mem>>)
      %mul3A_77 = arith.constant 1024 : i32
      %mul3A_78 = arith.muli %arg0, %mul3A_77 : i32
      %dma_start3A_79 = arith.constant 1 : i32
      %dma_start3A_80 = arith.constant 4 : i32
      %dma_start3A_81 = tpu.memref_slice %arg6[%dma_start3A_79, %dma_start3A_80] : memref<2x5x!tpu.dma_semaphore, #tpu.memory_space<semaphore_mem>> -> memref<1x1x!tpu.dma_semaphore, #tpu.memory_space<semaphore_mem>>
      %dma_start3A_82 = tpu.memref_squeeze %dma_start3A_81 : memref<1x1x!tpu.dma_semaphore, #tpu.memory_space<semaphore_mem>> -> memref<!tpu.dma_semaphore, #tpu.memory_space<semaphore_mem>>
      %dma_start3A_83 = arith.constant 800 : i32
      %dma_start3A_84 = tpu.memref_slice %arg4[%dma_start3A_83, %mul3A_78] : memref<1000x16384xf32, #tpu.memory_space<any>> -> memref<200x1024xf32, #tpu.memory_space<any>>
      %dma_start3A_85 = arith.constant 1800 : i32
      %dma_start3A_86 = arith.constant 0 : i32
      %dma_start3A_87 = tpu.memref_slice %arg5[%dma_start3A_85, %dma_start3A_86] : memref<2000x1024xf32, #tpu.memory_space<vmem>> -> memref<200x1024xf32, #tpu.memory_space<vmem>>
      tpu.enqueue_dma source(%dma_start3A_87 : memref<200x1024xf32, #tpu.memory_space<vmem>>) target(%dma_start3A_84 : memref<200x1024xf32, #tpu.memory_space<any>>) target_semaphore(%dma_start3A_82 : memref<!tpu.dma_semaphore, #tpu.memory_space<semaphore_mem>>)
    } else {
    }
    %eq3A_30 = arith.constant 15 : i32
    %eq3A_31 = arith.cmpi eq, %arg0, %eq3A_30 : i32
    %convert_element_type3A_32 = arith.extui %eq3A_31 : i1 to i32
    %cond3A_33 = arith.constant 0 : i32
    %cond3A_34 = arith.cmpi ne, %convert_element_type3A_32, %cond3A_33 : i32
    scf.if %cond3A_34 {
      %sub3A = arith.constant 1 : i32
      %sub3A_35 = arith.subi %arg0, %sub3A : i32
      %rem3A_36 = arith.constant 2 : i32
      %rem3A_37 = arith.remsi %sub3A_35, %rem3A_36 : i32
      %eq3A_38 = arith.constant 0 : i32
      %eq3A_39 = arith.cmpi eq, %rem3A_37, %eq3A_38 : i32
      %convert_element_type3A_40 = arith.extui %eq3A_39 : i1 to i32
      %cond3A_41 = arith.constant 0 : i32
      %cond3A_42 = arith.cmpi ne, %convert_element_type3A_40, %cond3A_41 : i32
      scf.if %cond3A_42 {
        %mul3A = arith.constant 1024 : i32
        %mul3A_64 = arith.muli %sub3A_35, %mul3A : i32
        %dma_wait3A = arith.constant 0 : i32
        %dma_wait3A_65 = arith.constant 0 : i32
        %dma_wait3A_66 = tpu.memref_slice %arg6[%dma_wait3A, %dma_wait3A_65] : memref<2x5x!tpu.dma_semaphore, #tpu.memory_space<semaphore_mem>> -> memref<1x1x!tpu.dma_semaphore, #tpu.memory_space<semaphore_mem>>
        %dma_wait3A_67 = tpu.memref_squeeze %dma_wait3A_66 : memref<1x1x!tpu.dma_semaphore, #tpu.memory_space<semaphore_mem>> -> memref<!tpu.dma_semaphore, #tpu.memory_space<semaphore_mem>>
        %dma_wait3A_68 = arith.constant 0 : i32
        %dma_wait3A_69 = tpu.memref_slice %arg4[%dma_wait3A_68, %mul3A_64] : memref<1000x16384xf32, #tpu.memory_space<any>> -> memref<200x1024xf32, #tpu.memory_space<any>>
        %dma_wait3A_70 = arith.constant 0 : i32
        %dma_wait3A_71 = arith.constant 0 : i32
        %dma_wait3A_72 = tpu.memref_slice %arg5[%dma_wait3A_70, %dma_wait3A_71] : memref<2000x1024xf32, #tpu.memory_space<vmem>> -> memref<200x1024xf32, #tpu.memory_space<vmem>>
        tpu.wait_dma2 semaphore(%dma_wait3A_67 : memref<!tpu.dma_semaphore, #tpu.memory_space<semaphore_mem>>) src(%dma_wait3A_72 : memref<200x1024xf32, #tpu.memory_space<vmem>>) dst(%dma_wait3A_69 : memref<200x1024xf32, #tpu.memory_space<any>>)
        %mul3A_73 = arith.constant 1024 : i32
        %mul3A_74 = arith.muli %sub3A_35, %mul3A_73 : i32
        %dma_wait3A_75 = arith.constant 0 : i32
        %dma_wait3A_76 = arith.constant 1 : i32
        %dma_wait3A_77 = tpu.memref_slice %arg6[%dma_wait3A_75, %dma_wait3A_76] : memref<2x5x!tpu.dma_semaphore, #tpu.memory_space<semaphore_mem>> -> memref<1x1x!tpu.dma_semaphore, #tpu.memory_space<semaphore_mem>>
        %dma_wait3A_78 = tpu.memref_squeeze %dma_wait3A_77 : memref<1x1x!tpu.dma_semaphore, #tpu.memory_space<semaphore_mem>> -> memref<!tpu.dma_semaphore, #tpu.memory_space<semaphore_mem>>
        %dma_wait3A_79 = arith.constant 200 : i32
        %dma_wait3A_80 = tpu.memref_slice %arg4[%dma_wait3A_79, %mul3A_74] : memref<1000x16384xf32, #tpu.memory_space<any>> -> memref<200x1024xf32, #tpu.memory_space<any>>
        %dma_wait3A_81 = arith.constant 200 : i32
        %dma_wait3A_82 = arith.constant 0 : i32
        %dma_wait3A_83 = tpu.memref_slice %arg5[%dma_wait3A_81, %dma_wait3A_82] : memref<2000x1024xf32, #tpu.memory_space<vmem>> -> memref<200x1024xf32, #tpu.memory_space<vmem>>
        tpu.wait_dma2 semaphore(%dma_wait3A_78 : memref<!tpu.dma_semaphore, #tpu.memory_space<semaphore_mem>>) src(%dma_wait3A_83 : memref<200x1024xf32, #tpu.memory_space<vmem>>) dst(%dma_wait3A_80 : memref<200x1024xf32, #tpu.memory_space<any>>)
        %mul3A_84 = arith.constant 1024 : i32
        %mul3A_85 = arith.muli %sub3A_35, %mul3A_84 : i32
        %dma_wait3A_86 = arith.constant 0 : i32
        %dma_wait3A_87 = arith.constant 2 : i32
        %dma_wait3A_88 = tpu.memref_slice %arg6[%dma_wait3A_86, %dma_wait3A_87] : memref<2x5x!tpu.dma_semaphore, #tpu.memory_space<semaphore_mem>> -> memref<1x1x!tpu.dma_semaphore, #tpu.memory_space<semaphore_mem>>
        %dma_wait3A_89 = tpu.memref_squeeze %dma_wait3A_88 : memref<1x1x!tpu.dma_semaphore, #tpu.memory_space<semaphore_mem>> -> memref<!tpu.dma_semaphore, #tpu.memory_space<semaphore_mem>>
        %dma_wait3A_90 = arith.constant 400 : i32
        %dma_wait3A_91 = tpu.memref_slice %arg4[%dma_wait3A_90, %mul3A_85] : memref<1000x16384xf32, #tpu.memory_space<any>> -> memref<200x1024xf32, #tpu.memory_space<any>>
        %dma_wait3A_92 = arith.constant 400 : i32
        %dma_wait3A_93 = arith.constant 0 : i32
        %dma_wait3A_94 = tpu.memref_slice %arg5[%dma_wait3A_92, %dma_wait3A_93] : memref<2000x1024xf32, #tpu.memory_space<vmem>> -> memref<200x1024xf32, #tpu.memory_space<vmem>>
        tpu.wait_dma2 semaphore(%dma_wait3A_89 : memref<!tpu.dma_semaphore, #tpu.memory_space<semaphore_mem>>) src(%dma_wait3A_94 : memref<200x1024xf32, #tpu.memory_space<vmem>>) dst(%dma_wait3A_91 : memref<200x1024xf32, #tpu.memory_space<any>>)
        %mul3A_95 = arith.constant 1024 : i32
        %mul3A_96 = arith.muli %sub3A_35, %mul3A_95 : i32
        %dma_wait3A_97 = arith.constant 0 : i32
        %dma_wait3A_98 = arith.constant 3 : i32
        %dma_wait3A_99 = tpu.memref_slice %arg6[%dma_wait3A_97, %dma_wait3A_98] : memref<2x5x!tpu.dma_semaphore, #tpu.memory_space<semaphore_mem>> -> memref<1x1x!tpu.dma_semaphore, #tpu.memory_space<semaphore_mem>>
        %dma_wait3A_100 = tpu.memref_squeeze %dma_wait3A_99 : memref<1x1x!tpu.dma_semaphore, #tpu.memory_space<semaphore_mem>> -> memref<!tpu.dma_semaphore, #tpu.memory_space<semaphore_mem>>
        %dma_wait3A_101 = arith.constant 600 : i32
        %dma_wait3A_102 = tpu.memref_slice %arg4[%dma_wait3A_101, %mul3A_96] : memref<1000x16384xf32, #tpu.memory_space<any>> -> memref<200x1024xf32, #tpu.memory_space<any>>
        %dma_wait3A_103 = arith.constant 600 : i32
        %dma_wait3A_104 = arith.constant 0 : i32
        %dma_wait3A_105 = tpu.memref_slice %arg5[%dma_wait3A_103, %dma_wait3A_104] : memref<2000x1024xf32, #tpu.memory_space<vmem>> -> memref<200x1024xf32, #tpu.memory_space<vmem>>
        tpu.wait_dma2 semaphore(%dma_wait3A_100 : memref<!tpu.dma_semaphore, #tpu.memory_space<semaphore_mem>>) src(%dma_wait3A_105 : memref<200x1024xf32, #tpu.memory_space<vmem>>) dst(%dma_wait3A_102 : memref<200x1024xf32, #tpu.memory_space<any>>)
        %mul3A_106 = arith.constant 1024 : i32
        %mul3A_107 = arith.muli %sub3A_35, %mul3A_106 : i32
        %dma_wait3A_108 = arith.constant 0 : i32
        %dma_wait3A_109 = arith.constant 4 : i32
        %dma_wait3A_110 = tpu.memref_slice %arg6[%dma_wait3A_108, %dma_wait3A_109] : memref<2x5x!tpu.dma_semaphore, #tpu.memory_space<semaphore_mem>> -> memref<1x1x!tpu.dma_semaphore, #tpu.memory_space<semaphore_mem>>
        %dma_wait3A_111 = tpu.memref_squeeze %dma_wait3A_110 : memref<1x1x!tpu.dma_semaphore, #tpu.memory_space<semaphore_mem>> -> memref<!tpu.dma_semaphore, #tpu.memory_space<semaphore_mem>>
        %dma_wait3A_112 = arith.constant 800 : i32
        %dma_wait3A_113 = tpu.memref_slice %arg4[%dma_wait3A_112, %mul3A_107] : memref<1000x16384xf32, #tpu.memory_space<any>> -> memref<200x1024xf32, #tpu.memory_space<any>>
        %dma_wait3A_114 = arith.constant 800 : i32
        %dma_wait3A_115 = arith.constant 0 : i32
        %dma_wait3A_116 = tpu.memref_slice %arg5[%dma_wait3A_114, %dma_wait3A_115] : memref<2000x1024xf32, #tpu.memory_space<vmem>> -> memref<200x1024xf32, #tpu.memory_space<vmem>>
        tpu.wait_dma2 semaphore(%dma_wait3A_111 : memref<!tpu.dma_semaphore, #tpu.memory_space<semaphore_mem>>) src(%dma_wait3A_116 : memref<200x1024xf32, #tpu.memory_space<vmem>>) dst(%dma_wait3A_113 : memref<200x1024xf32, #tpu.memory_space<any>>)
      } else {
      }
      %rem3A_43 = arith.constant 2 : i32
      %rem3A_44 = arith.remsi %sub3A_35, %rem3A_43 : i32
      %eq3A_45 = arith.constant 1 : i32
      %eq3A_46 = arith.cmpi eq, %rem3A_44, %eq3A_45 : i32
      %convert_element_type3A_47 = arith.extui %eq3A_46 : i1 to i32
      %cond3A_48 = arith.constant 0 : i32
      %cond3A_49 = arith.cmpi ne, %convert_element_type3A_47, %cond3A_48 : i32
      scf.if %cond3A_49 {
        %mul3A = arith.constant 1024 : i32
        %mul3A_64 = arith.muli %sub3A_35, %mul3A : i32
        %dma_wait3A = arith.constant 1 : i32
        %dma_wait3A_65 = arith.constant 0 : i32
        %dma_wait3A_66 = tpu.memref_slice %arg6[%dma_wait3A, %dma_wait3A_65] : memref<2x5x!tpu.dma_semaphore, #tpu.memory_space<semaphore_mem>> -> memref<1x1x!tpu.dma_semaphore, #tpu.memory_space<semaphore_mem>>
        %dma_wait3A_67 = tpu.memref_squeeze %dma_wait3A_66 : memref<1x1x!tpu.dma_semaphore, #tpu.memory_space<semaphore_mem>> -> memref<!tpu.dma_semaphore, #tpu.memory_space<semaphore_mem>>
        %dma_wait3A_68 = arith.constant 0 : i32
        %dma_wait3A_69 = tpu.memref_slice %arg4[%dma_wait3A_68, %mul3A_64] : memref<1000x16384xf32, #tpu.memory_space<any>> -> memref<200x1024xf32, #tpu.memory_space<any>>
        %dma_wait3A_70 = arith.constant 1000 : i32
        %dma_wait3A_71 = arith.constant 0 : i32
        %dma_wait3A_72 = tpu.memref_slice %arg5[%dma_wait3A_70, %dma_wait3A_71] : memref<2000x1024xf32, #tpu.memory_space<vmem>> -> memref<200x1024xf32, #tpu.memory_space<vmem>>
        tpu.wait_dma2 semaphore(%dma_wait3A_67 : memref<!tpu.dma_semaphore, #tpu.memory_space<semaphore_mem>>) src(%dma_wait3A_72 : memref<200x1024xf32, #tpu.memory_space<vmem>>) dst(%dma_wait3A_69 : memref<200x1024xf32, #tpu.memory_space<any>>)
        %mul3A_73 = arith.constant 1024 : i32
        %mul3A_74 = arith.muli %sub3A_35, %mul3A_73 : i32
        %dma_wait3A_75 = arith.constant 1 : i32
        %dma_wait3A_76 = arith.constant 1 : i32
        %dma_wait3A_77 = tpu.memref_slice %arg6[%dma_wait3A_75, %dma_wait3A_76] : memref<2x5x!tpu.dma_semaphore, #tpu.memory_space<semaphore_mem>> -> memref<1x1x!tpu.dma_semaphore, #tpu.memory_space<semaphore_mem>>
        %dma_wait3A_78 = tpu.memref_squeeze %dma_wait3A_77 : memref<1x1x!tpu.dma_semaphore, #tpu.memory_space<semaphore_mem>> -> memref<!tpu.dma_semaphore, #tpu.memory_space<semaphore_mem>>
        %dma_wait3A_79 = arith.constant 200 : i32
        %dma_wait3A_80 = tpu.memref_slice %arg4[%dma_wait3A_79, %mul3A_74] : memref<1000x16384xf32, #tpu.memory_space<any>> -> memref<200x1024xf32, #tpu.memory_space<any>>
        %dma_wait3A_81 = arith.constant 1200 : i32
        %dma_wait3A_82 = arith.constant 0 : i32
        %dma_wait3A_83 = tpu.memref_slice %arg5[%dma_wait3A_81, %dma_wait3A_82] : memref<2000x1024xf32, #tpu.memory_space<vmem>> -> memref<200x1024xf32, #tpu.memory_space<vmem>>
        tpu.wait_dma2 semaphore(%dma_wait3A_78 : memref<!tpu.dma_semaphore, #tpu.memory_space<semaphore_mem>>) src(%dma_wait3A_83 : memref<200x1024xf32, #tpu.memory_space<vmem>>) dst(%dma_wait3A_80 : memref<200x1024xf32, #tpu.memory_space<any>>)
        %mul3A_84 = arith.constant 1024 : i32
        %mul3A_85 = arith.muli %sub3A_35, %mul3A_84 : i32
        %dma_wait3A_86 = arith.constant 1 : i32
        %dma_wait3A_87 = arith.constant 2 : i32
        %dma_wait3A_88 = tpu.memref_slice %arg6[%dma_wait3A_86, %dma_wait3A_87] : memref<2x5x!tpu.dma_semaphore, #tpu.memory_space<semaphore_mem>> -> memref<1x1x!tpu.dma_semaphore, #tpu.memory_space<semaphore_mem>>
        %dma_wait3A_89 = tpu.memref_squeeze %dma_wait3A_88 : memref<1x1x!tpu.dma_semaphore, #tpu.memory_space<semaphore_mem>> -> memref<!tpu.dma_semaphore, #tpu.memory_space<semaphore_mem>>
        %dma_wait3A_90 = arith.constant 400 : i32
        %dma_wait3A_91 = tpu.memref_slice %arg4[%dma_wait3A_90, %mul3A_85] : memref<1000x16384xf32, #tpu.memory_space<any>> -> memref<200x1024xf32, #tpu.memory_space<any>>
        %dma_wait3A_92 = arith.constant 1400 : i32
        %dma_wait3A_93 = arith.constant 0 : i32
        %dma_wait3A_94 = tpu.memref_slice %arg5[%dma_wait3A_92, %dma_wait3A_93] : memref<2000x1024xf32, #tpu.memory_space<vmem>> -> memref<200x1024xf32, #tpu.memory_space<vmem>>
        tpu.wait_dma2 semaphore(%dma_wait3A_89 : memref<!tpu.dma_semaphore, #tpu.memory_space<semaphore_mem>>) src(%dma_wait3A_94 : memref<200x1024xf32, #tpu.memory_space<vmem>>) dst(%dma_wait3A_91 : memref<200x1024xf32, #tpu.memory_space<any>>)
        %mul3A_95 = arith.constant 1024 : i32
        %mul3A_96 = arith.muli %sub3A_35, %mul3A_95 : i32
        %dma_wait3A_97 = arith.constant 1 : i32
        %dma_wait3A_98 = arith.constant 3 : i32
        %dma_wait3A_99 = tpu.memref_slice %arg6[%dma_wait3A_97, %dma_wait3A_98] : memref<2x5x!tpu.dma_semaphore, #tpu.memory_space<semaphore_mem>> -> memref<1x1x!tpu.dma_semaphore, #tpu.memory_space<semaphore_mem>>
        %dma_wait3A_100 = tpu.memref_squeeze %dma_wait3A_99 : memref<1x1x!tpu.dma_semaphore, #tpu.memory_space<semaphore_mem>> -> memref<!tpu.dma_semaphore, #tpu.memory_space<semaphore_mem>>
        %dma_wait3A_101 = arith.constant 600 : i32
        %dma_wait3A_102 = tpu.memref_slice %arg4[%dma_wait3A_101, %mul3A_96] : memref<1000x16384xf32, #tpu.memory_space<any>> -> memref<200x1024xf32, #tpu.memory_space<any>>
        %dma_wait3A_103 = arith.constant 1600 : i32
        %dma_wait3A_104 = arith.constant 0 : i32
        %dma_wait3A_105 = tpu.memref_slice %arg5[%dma_wait3A_103, %dma_wait3A_104] : memref<2000x1024xf32, #tpu.memory_space<vmem>> -> memref<200x1024xf32, #tpu.memory_space<vmem>>
        tpu.wait_dma2 semaphore(%dma_wait3A_100 : memref<!tpu.dma_semaphore, #tpu.memory_space<semaphore_mem>>) src(%dma_wait3A_105 : memref<200x1024xf32, #tpu.memory_space<vmem>>) dst(%dma_wait3A_102 : memref<200x1024xf32, #tpu.memory_space<any>>)
        %mul3A_106 = arith.constant 1024 : i32
        %mul3A_107 = arith.muli %sub3A_35, %mul3A_106 : i32
        %dma_wait3A_108 = arith.constant 1 : i32
        %dma_wait3A_109 = arith.constant 4 : i32
        %dma_wait3A_110 = tpu.memref_slice %arg6[%dma_wait3A_108, %dma_wait3A_109] : memref<2x5x!tpu.dma_semaphore, #tpu.memory_space<semaphore_mem>> -> memref<1x1x!tpu.dma_semaphore, #tpu.memory_space<semaphore_mem>>
        %dma_wait3A_111 = tpu.memref_squeeze %dma_wait3A_110 : memref<1x1x!tpu.dma_semaphore, #tpu.memory_space<semaphore_mem>> -> memref<!tpu.dma_semaphore, #tpu.memory_space<semaphore_mem>>
        %dma_wait3A_112 = arith.constant 800 : i32
        %dma_wait3A_113 = tpu.memref_slice %arg4[%dma_wait3A_112, %mul3A_107] : memref<1000x16384xf32, #tpu.memory_space<any>> -> memref<200x1024xf32, #tpu.memory_space<any>>
        %dma_wait3A_114 = arith.constant 1800 : i32
        %dma_wait3A_115 = arith.constant 0 : i32
        %dma_wait3A_116 = tpu.memref_slice %arg5[%dma_wait3A_114, %dma_wait3A_115] : memref<2000x1024xf32, #tpu.memory_space<vmem>> -> memref<200x1024xf32, #tpu.memory_space<vmem>>
        tpu.wait_dma2 semaphore(%dma_wait3A_111 : memref<!tpu.dma_semaphore, #tpu.memory_space<semaphore_mem>>) src(%dma_wait3A_116 : memref<200x1024xf32, #tpu.memory_space<vmem>>) dst(%dma_wait3A_113 : memref<200x1024xf32, #tpu.memory_space<any>>)
      } else {
      }
      %rem3A_50 = arith.constant 2 : i32
      %rem3A_51 = arith.remsi %arg0, %rem3A_50 : i32
      %eq3A_52 = arith.constant 0 : i32
      %eq3A_53 = arith.cmpi eq, %rem3A_51, %eq3A_52 : i32
      %convert_element_type3A_54 = arith.extui %eq3A_53 : i1 to i32
      %cond3A_55 = arith.constant 0 : i32
      %cond3A_56 = arith.cmpi ne, %convert_element_type3A_54, %cond3A_55 : i32
      scf.if %cond3A_56 {
        %mul3A = arith.constant 1024 : i32
        %mul3A_64 = arith.muli %arg0, %mul3A : i32
        %dma_wait3A = arith.constant 0 : i32
        %dma_wait3A_65 = arith.constant 0 : i32
        %dma_wait3A_66 = tpu.memref_slice %arg6[%dma_wait3A, %dma_wait3A_65] : memref<2x5x!tpu.dma_semaphore, #tpu.memory_space<semaphore_mem>> -> memref<1x1x!tpu.dma_semaphore, #tpu.memory_space<semaphore_mem>>
        %dma_wait3A_67 = tpu.memref_squeeze %dma_wait3A_66 : memref<1x1x!tpu.dma_semaphore, #tpu.memory_space<semaphore_mem>> -> memref<!tpu.dma_semaphore, #tpu.memory_space<semaphore_mem>>
        %dma_wait3A_68 = arith.constant 0 : i32
        %dma_wait3A_69 = tpu.memref_slice %arg4[%dma_wait3A_68, %mul3A_64] : memref<1000x16384xf32, #tpu.memory_space<any>> -> memref<200x1024xf32, #tpu.memory_space<any>>
        %dma_wait3A_70 = arith.constant 0 : i32
        %dma_wait3A_71 = arith.constant 0 : i32
        %dma_wait3A_72 = tpu.memref_slice %arg5[%dma_wait3A_70, %dma_wait3A_71] : memref<2000x1024xf32, #tpu.memory_space<vmem>> -> memref<200x1024xf32, #tpu.memory_space<vmem>>
        tpu.wait_dma2 semaphore(%dma_wait3A_67 : memref<!tpu.dma_semaphore, #tpu.memory_space<semaphore_mem>>) src(%dma_wait3A_72 : memref<200x1024xf32, #tpu.memory_space<vmem>>) dst(%dma_wait3A_69 : memref<200x1024xf32, #tpu.memory_space<any>>)
        %mul3A_73 = arith.constant 1024 : i32
        %mul3A_74 = arith.muli %arg0, %mul3A_73 : i32
        %dma_wait3A_75 = arith.constant 0 : i32
        %dma_wait3A_76 = arith.constant 1 : i32
        %dma_wait3A_77 = tpu.memref_slice %arg6[%dma_wait3A_75, %dma_wait3A_76] : memref<2x5x!tpu.dma_semaphore, #tpu.memory_space<semaphore_mem>> -> memref<1x1x!tpu.dma_semaphore, #tpu.memory_space<semaphore_mem>>
        %dma_wait3A_78 = tpu.memref_squeeze %dma_wait3A_77 : memref<1x1x!tpu.dma_semaphore, #tpu.memory_space<semaphore_mem>> -> memref<!tpu.dma_semaphore, #tpu.memory_space<semaphore_mem>>
        %dma_wait3A_79 = arith.constant 200 : i32
        %dma_wait3A_80 = tpu.memref_slice %arg4[%dma_wait3A_79, %mul3A_74] : memref<1000x16384xf32, #tpu.memory_space<any>> -> memref<200x1024xf32, #tpu.memory_space<any>>
        %dma_wait3A_81 = arith.constant 200 : i32
        %dma_wait3A_82 = arith.constant 0 : i32
        %dma_wait3A_83 = tpu.memref_slice %arg5[%dma_wait3A_81, %dma_wait3A_82] : memref<2000x1024xf32, #tpu.memory_space<vmem>> -> memref<200x1024xf32, #tpu.memory_space<vmem>>
        tpu.wait_dma2 semaphore(%dma_wait3A_78 : memref<!tpu.dma_semaphore, #tpu.memory_space<semaphore_mem>>) src(%dma_wait3A_83 : memref<200x1024xf32, #tpu.memory_space<vmem>>) dst(%dma_wait3A_80 : memref<200x1024xf32, #tpu.memory_space<any>>)
        %mul3A_84 = arith.constant 1024 : i32
        %mul3A_85 = arith.muli %arg0, %mul3A_84 : i32
        %dma_wait3A_86 = arith.constant 0 : i32
        %dma_wait3A_87 = arith.constant 2 : i32
        %dma_wait3A_88 = tpu.memref_slice %arg6[%dma_wait3A_86, %dma_wait3A_87] : memref<2x5x!tpu.dma_semaphore, #tpu.memory_space<semaphore_mem>> -> memref<1x1x!tpu.dma_semaphore, #tpu.memory_space<semaphore_mem>>
        %dma_wait3A_89 = tpu.memref_squeeze %dma_wait3A_88 : memref<1x1x!tpu.dma_semaphore, #tpu.memory_space<semaphore_mem>> -> memref<!tpu.dma_semaphore, #tpu.memory_space<semaphore_mem>>
        %dma_wait3A_90 = arith.constant 400 : i32
        %dma_wait3A_91 = tpu.memref_slice %arg4[%dma_wait3A_90, %mul3A_85] : memref<1000x16384xf32, #tpu.memory_space<any>> -> memref<200x1024xf32, #tpu.memory_space<any>>
        %dma_wait3A_92 = arith.constant 400 : i32
        %dma_wait3A_93 = arith.constant 0 : i32
        %dma_wait3A_94 = tpu.memref_slice %arg5[%dma_wait3A_92, %dma_wait3A_93] : memref<2000x1024xf32, #tpu.memory_space<vmem>> -> memref<200x1024xf32, #tpu.memory_space<vmem>>
        tpu.wait_dma2 semaphore(%dma_wait3A_89 : memref<!tpu.dma_semaphore, #tpu.memory_space<semaphore_mem>>) src(%dma_wait3A_94 : memref<200x1024xf32, #tpu.memory_space<vmem>>) dst(%dma_wait3A_91 : memref<200x1024xf32, #tpu.memory_space<any>>)
        %mul3A_95 = arith.constant 1024 : i32
        %mul3A_96 = arith.muli %arg0, %mul3A_95 : i32
        %dma_wait3A_97 = arith.constant 0 : i32
        %dma_wait3A_98 = arith.constant 3 : i32
        %dma_wait3A_99 = tpu.memref_slice %arg6[%dma_wait3A_97, %dma_wait3A_98] : memref<2x5x!tpu.dma_semaphore, #tpu.memory_space<semaphore_mem>> -> memref<1x1x!tpu.dma_semaphore, #tpu.memory_space<semaphore_mem>>
        %dma_wait3A_100 = tpu.memref_squeeze %dma_wait3A_99 : memref<1x1x!tpu.dma_semaphore, #tpu.memory_space<semaphore_mem>> -> memref<!tpu.dma_semaphore, #tpu.memory_space<semaphore_mem>>
        %dma_wait3A_101 = arith.constant 600 : i32
        %dma_wait3A_102 = tpu.memref_slice %arg4[%dma_wait3A_101, %mul3A_96] : memref<1000x16384xf32, #tpu.memory_space<any>> -> memref<200x1024xf32, #tpu.memory_space<any>>
        %dma_wait3A_103 = arith.constant 600 : i32
        %dma_wait3A_104 = arith.constant 0 : i32
        %dma_wait3A_105 = tpu.memref_slice %arg5[%dma_wait3A_103, %dma_wait3A_104] : memref<2000x1024xf32, #tpu.memory_space<vmem>> -> memref<200x1024xf32, #tpu.memory_space<vmem>>
        tpu.wait_dma2 semaphore(%dma_wait3A_100 : memref<!tpu.dma_semaphore, #tpu.memory_space<semaphore_mem>>) src(%dma_wait3A_105 : memref<200x1024xf32, #tpu.memory_space<vmem>>) dst(%dma_wait3A_102 : memref<200x1024xf32, #tpu.memory_space<any>>)
        %mul3A_106 = arith.constant 1024 : i32
        %mul3A_107 = arith.muli %arg0, %mul3A_106 : i32
        %dma_wait3A_108 = arith.constant 0 : i32
        %dma_wait3A_109 = arith.constant 4 : i32
        %dma_wait3A_110 = tpu.memref_slice %arg6[%dma_wait3A_108, %dma_wait3A_109] : memref<2x5x!tpu.dma_semaphore, #tpu.memory_space<semaphore_mem>> -> memref<1x1x!tpu.dma_semaphore, #tpu.memory_space<semaphore_mem>>
        %dma_wait3A_111 = tpu.memref_squeeze %dma_wait3A_110 : memref<1x1x!tpu.dma_semaphore, #tpu.memory_space<semaphore_mem>> -> memref<!tpu.dma_semaphore, #tpu.memory_space<semaphore_mem>>
        %dma_wait3A_112 = arith.constant 800 : i32
        %dma_wait3A_113 = tpu.memref_slice %arg4[%dma_wait3A_112, %mul3A_107] : memref<1000x16384xf32, #tpu.memory_space<any>> -> memref<200x1024xf32, #tpu.memory_space<any>>
        %dma_wait3A_114 = arith.constant 800 : i32
        %dma_wait3A_115 = arith.constant 0 : i32
        %dma_wait3A_116 = tpu.memref_slice %arg5[%dma_wait3A_114, %dma_wait3A_115] : memref<2000x1024xf32, #tpu.memory_space<vmem>> -> memref<200x1024xf32, #tpu.memory_space<vmem>>
        tpu.wait_dma2 semaphore(%dma_wait3A_111 : memref<!tpu.dma_semaphore, #tpu.memory_space<semaphore_mem>>) src(%dma_wait3A_116 : memref<200x1024xf32, #tpu.memory_space<vmem>>) dst(%dma_wait3A_113 : memref<200x1024xf32, #tpu.memory_space<any>>)
      } else {
      }
      %rem3A_57 = arith.constant 2 : i32
      %rem3A_58 = arith.remsi %arg0, %rem3A_57 : i32
      %eq3A_59 = arith.constant 1 : i32
      %eq3A_60 = arith.cmpi eq, %rem3A_58, %eq3A_59 : i32
      %convert_element_type3A_61 = arith.extui %eq3A_60 : i1 to i32
      %cond3A_62 = arith.constant 0 : i32
      %cond3A_63 = arith.cmpi ne, %convert_element_type3A_61, %cond3A_62 : i32
      scf.if %cond3A_63 {
        %mul3A = arith.constant 1024 : i32
        %mul3A_64 = arith.muli %arg0, %mul3A : i32
        %dma_wait3A = arith.constant 1 : i32
        %dma_wait3A_65 = arith.constant 0 : i32
        %dma_wait3A_66 = tpu.memref_slice %arg6[%dma_wait3A, %dma_wait3A_65] : memref<2x5x!tpu.dma_semaphore, #tpu.memory_space<semaphore_mem>> -> memref<1x1x!tpu.dma_semaphore, #tpu.memory_space<semaphore_mem>>
        %dma_wait3A_67 = tpu.memref_squeeze %dma_wait3A_66 : memref<1x1x!tpu.dma_semaphore, #tpu.memory_space<semaphore_mem>> -> memref<!tpu.dma_semaphore, #tpu.memory_space<semaphore_mem>>
        %dma_wait3A_68 = arith.constant 0 : i32
        %dma_wait3A_69 = tpu.memref_slice %arg4[%dma_wait3A_68, %mul3A_64] : memref<1000x16384xf32, #tpu.memory_space<any>> -> memref<200x1024xf32, #tpu.memory_space<any>>
        %dma_wait3A_70 = arith.constant 1000 : i32
        %dma_wait3A_71 = arith.constant 0 : i32
        %dma_wait3A_72 = tpu.memref_slice %arg5[%dma_wait3A_70, %dma_wait3A_71] : memref<2000x1024xf32, #tpu.memory_space<vmem>> -> memref<200x1024xf32, #tpu.memory_space<vmem>>
        tpu.wait_dma2 semaphore(%dma_wait3A_67 : memref<!tpu.dma_semaphore, #tpu.memory_space<semaphore_mem>>) src(%dma_wait3A_72 : memref<200x1024xf32, #tpu.memory_space<vmem>>) dst(%dma_wait3A_69 : memref<200x1024xf32, #tpu.memory_space<any>>)
        %mul3A_73 = arith.constant 1024 : i32
        %mul3A_74 = arith.muli %arg0, %mul3A_73 : i32
        %dma_wait3A_75 = arith.constant 1 : i32
        %dma_wait3A_76 = arith.constant 1 : i32
        %dma_wait3A_77 = tpu.memref_slice %arg6[%dma_wait3A_75, %dma_wait3A_76] : memref<2x5x!tpu.dma_semaphore, #tpu.memory_space<semaphore_mem>> -> memref<1x1x!tpu.dma_semaphore, #tpu.memory_space<semaphore_mem>>
        %dma_wait3A_78 = tpu.memref_squeeze %dma_wait3A_77 : memref<1x1x!tpu.dma_semaphore, #tpu.memory_space<semaphore_mem>> -> memref<!tpu.dma_semaphore, #tpu.memory_space<semaphore_mem>>
        %dma_wait3A_79 = arith.constant 200 : i32
        %dma_wait3A_80 = tpu.memref_slice %arg4[%dma_wait3A_79, %mul3A_74] : memref<1000x16384xf32, #tpu.memory_space<any>> -> memref<200x1024xf32, #tpu.memory_space<any>>
        %dma_wait3A_81 = arith.constant 1200 : i32
        %dma_wait3A_82 = arith.constant 0 : i32
        %dma_wait3A_83 = tpu.memref_slice %arg5[%dma_wait3A_81, %dma_wait3A_82] : memref<2000x1024xf32, #tpu.memory_space<vmem>> -> memref<200x1024xf32, #tpu.memory_space<vmem>>
        tpu.wait_dma2 semaphore(%dma_wait3A_78 : memref<!tpu.dma_semaphore, #tpu.memory_space<semaphore_mem>>) src(%dma_wait3A_83 : memref<200x1024xf32, #tpu.memory_space<vmem>>) dst(%dma_wait3A_80 : memref<200x1024xf32, #tpu.memory_space<any>>)
        %mul3A_84 = arith.constant 1024 : i32
        %mul3A_85 = arith.muli %arg0, %mul3A_84 : i32
        %dma_wait3A_86 = arith.constant 1 : i32
        %dma_wait3A_87 = arith.constant 2 : i32
        %dma_wait3A_88 = tpu.memref_slice %arg6[%dma_wait3A_86, %dma_wait3A_87] : memref<2x5x!tpu.dma_semaphore, #tpu.memory_space<semaphore_mem>> -> memref<1x1x!tpu.dma_semaphore, #tpu.memory_space<semaphore_mem>>
        %dma_wait3A_89 = tpu.memref_squeeze %dma_wait3A_88 : memref<1x1x!tpu.dma_semaphore, #tpu.memory_space<semaphore_mem>> -> memref<!tpu.dma_semaphore, #tpu.memory_space<semaphore_mem>>
        %dma_wait3A_90 = arith.constant 400 : i32
        %dma_wait3A_91 = tpu.memref_slice %arg4[%dma_wait3A_90, %mul3A_85] : memref<1000x16384xf32, #tpu.memory_space<any>> -> memref<200x1024xf32, #tpu.memory_space<any>>
        %dma_wait3A_92 = arith.constant 1400 : i32
        %dma_wait3A_93 = arith.constant 0 : i32
        %dma_wait3A_94 = tpu.memref_slice %arg5[%dma_wait3A_92, %dma_wait3A_93] : memref<2000x1024xf32, #tpu.memory_space<vmem>> -> memref<200x1024xf32, #tpu.memory_space<vmem>>
        tpu.wait_dma2 semaphore(%dma_wait3A_89 : memref<!tpu.dma_semaphore, #tpu.memory_space<semaphore_mem>>) src(%dma_wait3A_94 : memref<200x1024xf32, #tpu.memory_space<vmem>>) dst(%dma_wait3A_91 : memref<200x1024xf32, #tpu.memory_space<any>>)
        %mul3A_95 = arith.constant 1024 : i32
        %mul3A_96 = arith.muli %arg0, %mul3A_95 : i32
        %dma_wait3A_97 = arith.constant 1 : i32
        %dma_wait3A_98 = arith.constant 3 : i32
        %dma_wait3A_99 = tpu.memref_slice %arg6[%dma_wait3A_97, %dma_wait3A_98] : memref<2x5x!tpu.dma_semaphore, #tpu.memory_space<semaphore_mem>> -> memref<1x1x!tpu.dma_semaphore, #tpu.memory_space<semaphore_mem>>
        %dma_wait3A_100 = tpu.memref_squeeze %dma_wait3A_99 : memref<1x1x!tpu.dma_semaphore, #tpu.memory_space<semaphore_mem>> -> memref<!tpu.dma_semaphore, #tpu.memory_space<semaphore_mem>>
        %dma_wait3A_101 = arith.constant 600 : i32
        %dma_wait3A_102 = tpu.memref_slice %arg4[%dma_wait3A_101, %mul3A_96] : memref<1000x16384xf32, #tpu.memory_space<any>> -> memref<200x1024xf32, #tpu.memory_space<any>>
        %dma_wait3A_103 = arith.constant 1600 : i32
        %dma_wait3A_104 = arith.constant 0 : i32
        %dma_wait3A_105 = tpu.memref_slice %arg5[%dma_wait3A_103, %dma_wait3A_104] : memref<2000x1024xf32, #tpu.memory_space<vmem>> -> memref<200x1024xf32, #tpu.memory_space<vmem>>
        tpu.wait_dma2 semaphore(%dma_wait3A_100 : memref<!tpu.dma_semaphore, #tpu.memory_space<semaphore_mem>>) src(%dma_wait3A_105 : memref<200x1024xf32, #tpu.memory_space<vmem>>) dst(%dma_wait3A_102 : memref<200x1024xf32, #tpu.memory_space<any>>)
        %mul3A_106 = arith.constant 1024 : i32
        %mul3A_107 = arith.muli %arg0, %mul3A_106 : i32
        %dma_wait3A_108 = arith.constant 1 : i32
        %dma_wait3A_109 = arith.constant 4 : i32
        %dma_wait3A_110 = tpu.memref_slice %arg6[%dma_wait3A_108, %dma_wait3A_109] : memref<2x5x!tpu.dma_semaphore, #tpu.memory_space<semaphore_mem>> -> memref<1x1x!tpu.dma_semaphore, #tpu.memory_space<semaphore_mem>>
        %dma_wait3A_111 = tpu.memref_squeeze %dma_wait3A_110 : memref<1x1x!tpu.dma_semaphore, #tpu.memory_space<semaphore_mem>> -> memref<!tpu.dma_semaphore, #tpu.memory_space<semaphore_mem>>
        %dma_wait3A_112 = arith.constant 800 : i32
        %dma_wait3A_113 = tpu.memref_slice %arg4[%dma_wait3A_112, %mul3A_107] : memref<1000x16384xf32, #tpu.memory_space<any>> -> memref<200x1024xf32, #tpu.memory_space<any>>
        %dma_wait3A_114 = arith.constant 1800 : i32
        %dma_wait3A_115 = arith.constant 0 : i32
        %dma_wait3A_116 = tpu.memref_slice %arg5[%dma_wait3A_114, %dma_wait3A_115] : memref<2000x1024xf32, #tpu.memory_space<vmem>> -> memref<200x1024xf32, #tpu.memory_space<vmem>>
        tpu.wait_dma2 semaphore(%dma_wait3A_111 : memref<!tpu.dma_semaphore, #tpu.memory_space<semaphore_mem>>) src(%dma_wait3A_116 : memref<200x1024xf32, #tpu.memory_space<vmem>>) dst(%dma_wait3A_113 : memref<200x1024xf32, #tpu.memory_space<any>>)
      } else {
      }
    } else {
    }
    return
  }
  func.func @transform_0(%arg0: i32) -> (i32, i32) {
    %jit3A = arith.constant 2 : i32
    %div3A = arith.divsi %arg0, %jit3A : i32
    %sign3A = arith.constant 0 : i32
    %sign3A_0 = arith.cmpi sgt, %arg0, %sign3A : i32
    %sign3A_1 = arith.extui %sign3A_0 : i1 to i32
    %sign3A_2 = arith.constant 0 : i32
    %sign3A_3 = arith.cmpi slt, %arg0, %sign3A_2 : i32
    %sign3A_4 = arith.extui %sign3A_3 : i1 to i32
    %sign3A_5 = arith.subi %sign3A_1, %sign3A_4 : i32
    %sign3A_6 = arith.constant 0 : i32
    %sign3A_7 = arith.cmpi sgt, %jit3A, %sign3A_6 : i32
    %sign3A_8 = arith.extui %sign3A_7 : i1 to i32
    %sign3A_9 = arith.constant 0 : i32
    %sign3A_10 = arith.cmpi slt, %jit3A, %sign3A_9 : i32
    %sign3A_11 = arith.extui %sign3A_10 : i1 to i32
    %sign3A_12 = arith.subi %sign3A_8, %sign3A_11 : i32
    %ne3A = arith.cmpi ne, %sign3A_5, %sign3A_12 : i32
    %rem3A = arith.remsi %arg0, %jit3A : i32
    %ne3A_13 = arith.constant 0 : i32
    %ne3A_14 = arith.cmpi ne, %rem3A, %ne3A_13 : i32
    %and3A = arith.andi %ne3A, %ne3A_14 : i1
    %sub3A = arith.constant 1 : i32
    %sub3A_15 = arith.subi %div3A, %sub3A : i32
    %select_n3A = arith.select %and3A, %sub3A_15, %div3A : i32
    %c0_i32 = arith.constant 0 : i32
    %c0_i32_16 = arith.constant 0 : i32
    return %select_n3A, %c0_i32 : i32, i32
  }
  func.func @transform_1(%arg0: i32) -> (i32, i32) {
    %c0_i32 = arith.constant 0 : i32
    %c0_i32_0 = arith.constant 0 : i32
    %c0_i32_1 = arith.constant 0 : i32
    return %c0_i32, %c0_i32_0 : i32, i32
  }
  func.func @transform_2(%arg0: i32) -> (i32, i32) {
    %c0_i32 = arith.constant 0 : i32
    %c0_i32_0 = arith.constant 0 : i32
    %c0_i32_1 = arith.constant 0 : i32
    return %c0_i32, %c0_i32_0 : i32, i32
  }
}

</mosaic_0001>

<sc_bundles>
// kernel: kernel.5.cloned.1.call-start
scs
__scs_entry_jumppad:
0x0: {  	(pc) =	sbr.rel $0x88, $3  }
0x1: {  	(tag) =	ssettag $0x0;
	lr =	simm.s32 $0x1  }
0x2: {  	[smem:$0x3F9C] =	sst lr;
	_ =	strace $0xD0000000  }
0x3: {  	_ = 	snop  }
0x4: {  	_ = 	snop  }
0x5: {  	_ = 	snop  }
0x6: {  	_ = 	snop  }
0x7: {  	_ = 	snop  }
__scs_overlays_trampoline_lowered:
0x8: {  	[smem:$0x3FAB] =	sst s0  }
0x9: {  	[smem:$0x3FAC] =	sst s1  }
0xa: {  	[smem:$0x3FAD] =	sst s2  }
0xb: {  	[smem:$0x3FAE] =	sst s3  }
0xc: {  	[smem:$0x3FAF] =	sst s4  }
0xd: {  	[smem:$0x3FB0] =	sst s5  }
0xe: {  	[smem:$0x3FB1] =	sst s6  }
0xf: {  	[smem:$0x3FB2] =	sst s7  }
0x10: {  	[smem:$0x3FB3] =	sst s8  }
0x11: {  	[smem:$0x3FB4] =	sst s9;
	s0 =	simm.s32 @!p0 $0x0  }
0x12: {  	s1 =	sld [smem:$0x3F9A];
	s0 =	simm.s32 @p0 $0x1  }
0x13: {  	[smem:$0x3FB5] =	sst s0;
	s0 =	simm.s32 @!p1 $0x0  }
0x14: {  	s2 =	sld [smem:$0x3F99];
	s0 =	simm.s32 @p1 $0x1  }
0x15: {  	[smem:$0x3FB6] =	sst s0;
	s0 =	simm.s32 @!p2 $0x0  }
0x16: {  	s3 =	sld [smem:$0x3FDB];
	s0 =	simm.s32 @p2 $0x1  }
0x17: {  	s4 =	simm.s32 $0x1BF5;
	[smem:$0x3FB8] =	sst s0  }
0x18: {  	s0 =	sld [smem:$0x3F9B];
	_ =	swait.ge [sflag:s4], $0x0  }
0x19: {  	s7 =	sld [smem:$0x3F9C]  }
0x1a: {  	s8 =	sadd.s32 $0xFFFFE003, lr  }
0x1b: {  	s9 =	sadd.s32 $0xFFFFFEF7, lr;
	s5 =	simm.s32 $0xFFFFFFFF;
	p2 =	slt.u32 s8, $0xFFFFF086  }
0x1c: {  	p1 =	slt.u32 s9, $0xF7A;
	s5 =	simm.s32 @!p2 $0x0  }
0x1d: {  	s5 =	simm.s32 @p1 $0x1;
	p0 =	seq.s32 s7, s2  }
0x1e: {  	s7 =	smul.u32 @!p0 $0xF7A, s2;
	p2 =	seq.s32 @!p0 s5, $0x0  }
0x1f: {  	s9 =	smul.u32 $0xF7A, s1;
	s8 =	simm.s32 @!p0 $0x1BF5;
	p2 =	por !p2, p0  }
0x20: {  	[sflag:s8] =	ssyncset.s32 @!p0 $0xFFFFF086;
	s6 =	sadd.s32 @!p0 s3, s7;
	s7 =	simm.s32 @!p0 $0x108  }
0x21: {  	s3 =	sadd.s32 s3, s9;
	s6 =	sadd.s32 @!p0 $0x88, s6;
	s7 =	simm.s32 @p2 $0x1082  }
0x22: {  	[simem:s7], [sflag:s8] =	dma.local @!p0 [hbm:s6], $0xF7A  }
0x23: {  	s9 =	sor.u32 $0xD0000000, s2;
	s6 =	simm.s32 $0x108;
	_ =	swait.ge @!p0 [sflag:s8], $0x0  }
0x24: {  	s3 =	sadd.s32 $0x88, s3;
	s6 =	simm.s32 @!p1 $0x1082;
	[sflag:s4] =	ssyncset.s32 $0xFFFFF086  }
0x25: {  	[simem:s6], [sflag:s4] =	dma.local [hbm:s3], $0xF7A  }
0x26: {  	[smem:$0x3F9C] =	sst s1;
	(tag) =	ssettag s2;
	_ =	strace s9  }
0x27: {  	s1 =	sld [smem:$0x3FAC]  }
0x28: {  	s2 =	sld [smem:$0x3FAD]  }
0x29: {  	s4 =	sld [smem:$0x3FAF]  }
0x2a: {  	p0 =	seq.s32 s5, $0x0;
	s5 =	sld [smem:$0x3FB0]  }
0x2b: {  	s6 =	sld [smem:$0x3FB1]  }
0x2c: {  	s7 =	sld [smem:$0x3FB2]  }
0x2d: {  	s3 =	simm.s32 $0x108;
	s8 =	sld [smem:$0x3FB3]  }
0x2e: {  	s3 =	simm.s32 @!p0 $0x1082;
	s9 =	sld [smem:$0x3FB4]  }
0x2f: {  	lr =	sadd.s32 s0, s3;
	s0 =	sld [smem:$0x3FAB]  }
0x30: {  	s3 =	sld [smem:$0x3FAE]  }
0x31: {  	[smem:$0x3FB7] =	sst s10  }
0x32: {  	s10 =	sld [smem:$0x3FB5];
	_ =	sdelay $0x3  }
0x33: {  	p0 =	seq.s32 s10, $0x1;
	s10 =	sld [smem:$0x3FB7];
	_ =	sdelay $0x3  }
0x34: {  	[smem:$0x3FB7] =	sst s10  }
0x35: {  	s10 =	sld [smem:$0x3FB6];
	_ =	sdelay $0x3  }
0x36: {  	p1 =	seq.s32 s10, $0x1;
	s10 =	sld [smem:$0x3FB7];
	_ =	sdelay $0x3  }
0x37: {  	[smem:$0x3FB7] =	sst s10  }
0x38: {  	s10 =	sld [smem:$0x3FB8]  }
0x39: {  	_ = 	snop;
	(pc) =	sbr.ind lr, $3  }
0x3a: {  	_ = 	snop  }
0x3b: {  	_ = 	snop  }
0x3c: {  	p2 =	seq.s32 s10, $0x1;
	s10 =	sld [smem:$0x3FB7]  }
0x3d: {  	_ =	shalt  }
0x3e: {  	_ =	shalt  }
0x3f: {  	_ =	shalt  }
0x40: {  	_ =	shalt  }
0x41: {  	_ =	shalt  }
0x42: {  	_ =	shalt  }
0x43: {  	_ =	shalt  }
0x44: {  	_ =	shalt  }
0x45: {  	_ =	shalt  }
0x46: {  	_ =	shalt  }
0x47: {  	_ =	shalt  }
0x48: {  	_ =	shalt  }
0x49: {  	_ =	shalt  }
0x4a: {  	_ =	shalt  }
0x4b: {  	_ =	shalt  }
0x4c: {  	_ =	shalt  }
0x4d: {  	_ =	shalt  }
0x4e: {  	_ =	shalt  }
0x4f: {  	_ =	shalt  }
0x50: {  	_ =	shalt  }
0x51: {  	_ =	shalt  }
0x52: {  	_ =	shalt  }
0x53: {  	_ =	shalt  }
0x54: {  	_ =	shalt  }
0x55: {  	_ =	shalt  }
0x56: {  	_ =	shalt  }
0x57: {  	_ =	shalt  }
0x58: {  	_ =	shalt  }
0x59: {  	_ =	shalt  }
0x5a: {  	_ =	shalt  }
0x5b: {  	_ =	shalt  }
0x5c: {  	_ =	shalt  }
0x5d: {  	_ =	shalt  }
0x5e: {  	_ =	shalt  }
0x5f: {  	_ =	shalt  }
0x60: {  	_ =	shalt  }
0x61: {  	_ =	shalt  }
0x62: {  	_ =	shalt  }
0x63: {  	_ =	shalt  }
0x64: {  	_ =	shalt  }
0x65: {  	_ =	shalt  }
0x66: {  	_ =	shalt  }
0x67: {  	_ =	shalt  }
0x68: {  	_ =	shalt  }
0x69: {  	_ =	shalt  }
0x6a: {  	_ =	shalt  }
0x6b: {  	_ =	shalt  }
0x6c: {  	_ =	shalt  }
0x6d: {  	_ =	shalt  }
0x6e: {  	_ =	shalt  }
0x6f: {  	_ =	shalt  }
0x70: {  	_ =	shalt  }
0x71: {  	_ =	shalt  }
0x72: {  	_ =	shalt  }
0x73: {  	_ =	shalt  }
0x74: {  	_ =	shalt  }
0x75: {  	_ =	shalt  }
0x76: {  	_ =	shalt  }
0x77: {  	_ =	shalt  }
0x78: {  	_ =	shalt  }
0x79: {  	_ =	shalt  }
0x7a: {  	_ =	shalt  }
0x7b: {  	_ =	shalt  }
0x7c: {  	_ =	shalt  }
0x7d: {  	_ =	shalt  }
0x7e: {  	_ =	shalt  }
0x7f: {  	_ =	shalt  }
0x80: {  	_ =	shalt  }
0x81: {  	_ =	shalt  }
0x82: {  	_ =	shalt  }
0x83: {  	_ =	shalt  }
0x84: {  	_ =	shalt  }
0x85: {  	_ =	shalt  }
0x86: {  	_ =	shalt  }
0x87: {  	_ =	shalt  }
.Lfunc_end0:
.L_simem_size_0:
called_computation_lowered:
.L_overlay_start_0:
0x88: {  	s2 =	sld [smem:$0x3FD9]  }
0x89: {  	s3 =	sld [smem:$0x3FFE];
	_ =	sdelay $0x1  }
0x8a: {  	s1 =	srdreg.scid  }
0x8b: {  	s0 =	sand.u32 $0x1, s1  }
0x8c: {  	s14 =	sshll.u32 s0, $0xA;
	s2 =	sadd.s32 s3, s2  }
0x8d: {  	s2 =	sadd.s32 s2, s14  }
0x8e: {  	[smem:$0x3FC3] =	sst s2  }
0x8f: {  	_ = 	snop  }
0x90: {  	s2 =	sld [smem:$0x3FD0];
	_ =	sdelay $0x2  }
0x91: {  	s15 =	simm.s32 $0xA;
	s4 =	simm.s32 $0x10  }
0x92: {  	[smem:s4], [sflag:s15] =	dma.local [hbm:s2], $0x1  }
0x93: {  	_ =	swait.eq [sflag:s15], $0x1  }
0x94: {  	[sflag:s15] =	ssyncset.done $0x0  }
0x95: {  	[sflag:s15] =	ssyncadd.s32 $0xFFFFFFFF  }
0x96: {  	s16 =	sld [smem:$0x10];
	(tm) =	ssettm $0x1  }
0x97: {  	s17 =	sld [smem:$0x3FFB];
	_ =	sdelay $0x3  }
0x98: {  	_ =	strace s17  }
0x99: {  	s3 =	sld [smem:$0x3FFC];
	_ =	sdelay $0x3  }
0x9a: {  	_ =	strace s3  }
0x9b: {  	s3 =	sld [smem:$0x3FFD];
	_ =	sdelay $0x3  }
0x9c: {  	_ =	strace s3  }
0x9d: {  	_ =	strace $0x8FFFFFFF  }
0x9e: {  	s18 =	sld [smem:$0x3FDB];
	_ =	sdelay $0x1  }
0x9f: {  	s19 =	simm.s32 $_scs_section_size  }
0xa0: {  	s5 =	simm.s32 $_size__tile_overlayer_lowered;
	s6 =	simm.s32 $_tile_overlayer_lowered  }
0xa1: {  	s22 =	simm.s32 $0x1BFF;
	s21 =	sshll.u32 s6, $0x1;
	s3 =	sadd.s32 s19, s18  }
0xa2: {  	s7 =	simm.s32 $0x0;
	s20 =	sshll.u32 s5, $0x1;
	s5 =	sadd.s32 s21, s3  }
0xa3: {  	[timem:s7], [sflag:s22] =	dma.local [hbm:s5], s20  }
0xa4: {  	_ =	swait.ge [sflag:s22], s20  }
0xa5: {  	s4 =	ssub.s32 $0x0, s20;
	[sflag:s22] =	ssyncset.done $0x0  }
0xa6: {  	[sflag:s22] =	ssyncadd.s32 s4;
	_ =	sdelay $0x1  }
0xa7: {  	s23 =	simm.s32 $0x1B8B  }
0xa8: {  	_ =	swait.ge [sflag:s23], $0x1  }
0xa9: {  	[sflag:s23] =	ssyncset.done $0x0  }
0xaa: {  	s25 =	simm.s32 $0x1B8E;
	s24 =	sld [smem:$0x3FFE];
	[sflag:s23] =	ssyncadd.s32 $0xFFFFFFFF  }
0xab: {  	s26 =	simm.s32 $execute0_lowered;
	[smem:$0x3FD2] =	sst s25  }
0xac: {  	s5 =	sshll.u32 s26, $0x1;
	_ =	strace $0x80000046;
	[dreg:$0x1] =	wrdreg $0xFFFFFFFF  }
0xad: {  	s28 =	simm.s32 $_size_execute0_lowered;
	s3 =	sadd.s32 s3, s5;
	[dreg:$0x0] =	wrdreg $0x0  }
0xae: {  	s5 =	sshll.u32 s28, $0x1;
	[dreg:$0x2] =	wrdreg s3  }
0xaf: {  	[dreg:$0x3] =	wrdreg s5  }
0xb0: {  	[dreg:$0x4] =	wrdreg $0xC0  }
0xb1: {  	_ =	task [dreg:s7], $0x5FFFF  }
0xb2: {  	[dreg:$0x1] =	wrdreg $0xFFFFFFFF  }
0xb3: {  	[dreg:$0x0] =	wrdreg $0x60  }
0xb4: {  	[dreg:$0x2] =	wrdreg s24  }
0xb5: {  	[dreg:$0x3] =	wrdreg s16  }
0xb6: {  	[dreg:$0x4] =	wrdreg $0x9  }
0xb7: {  	_ =	task.clear_ibuf [dreg:s7], $0x5FFFF;
	_ =	strace $0x90000046  }
0xb8: {  	s29 =	simm.s32 $0x9;
	_ =	strace $0x80000048  }
0xb9: {  	_ =	swait.ge [sflag:s29], $0x1  }
0xba: {  	[sflag:s29] =	ssyncadd.s32 $0xFFFFFFFF  }
0xbb: {  	_ =	strace $0x90000048  }
0xbc: {  	_ =	sfence  }
0xbd: {  	s30 =	sld [smem:$0x0];
	_ =	sdelay $0x2  }
0xbe: {  	s31 =	sshll.u32 s1, $0xD;
	s1 =	sshrl.u32 s1, $0x2  }
0xbf: {  	s3 =	sand.u32 $0x4000, s31;
	s1 =	sadd.s32 s1, s30  }
0xc0: {  	s0 =	sor.u32 s3, s0;
	s1 =	sshll.u32 s1, $0x11  }
0xc1: {  	s0 =	sor.u32 s1, s0  }
0xc2: {  	s0 =	sadd.s32 $0x8F2B, s0  }
0xc3: {  	[sflag:s0] =	ssyncadd.remote.s32 $0x1  }
0xc4: {  	_ =	sfence.sel $0xFFFF  }
0xc5: {  	[dreg:$0x0] =	wrdreg $0xFFFFFFFF;
	(pc) =	sbr.abs _section_cstart, $3  }
0xc6: {  	[dreg:$0x1] =	wrdreg $0xFFFFFFFF  }
0xc7: {  	_ =	task.clear_ibuf [dreg:s7], $0x2FFFF;
	_ =	strace $0x9FFFFFFF  }
0xc8: {  	(tm) =	ssettm $0x7FFFFFFF  }
0xc9: {  	_ =	shalt  }
tec
execute0_lowered:
.L_overlay_start_1:
0x0: {  	(tag) =	ssettag $0x1  }
0x1: {  	s4 =	rddreg [dreg:$0x0];
	s5 =	srdreg.scid  }
0x2: {  	s0 =	stileid.u32;
	s8 =	rddreg [dreg:$0x1]  }
0x3: {  	s2 =	simm.s32 $0x0;
	s11 =	simm.s32 $0x1;
	s12 =	simm.s32 $0x80  }
0x4: {  	s13 =	simm.s32 $0x400;
	s14 =	simm.s32 $0x8400;
	s15 =	simm.s32 $0x2400  }
0x5: {  	s16 =	simm.s32 $0x280;
	s17 =	simm.s32 $0xA400;
	s18 =	simm.s32 $0x100  }
0x6: {  	s19 =	simm.s32 $0x4400;
	s20 =	simm.s32 $0x300;
	s21 =	simm.s32 $0xC400  }
0x7: {  	s22 =	simm.s32 $0x180;
	s23 =	simm.s32 $0x6400;
	s24 =	simm.s32 $0x380  }
0x8: {  	s25 =	simm.s32 $0xE400;
	s26 =	simm.s32 $0x2;
	s28 =	simm.s32 $0x40  }
0x9: {  	s29 =	simm.s32 $0x0;
	s6 =	sand.u32 $0x1, s5;
	s3 =	sshll.u32 s0, $0x1  }
0xa: {  	[smem:$0x7FF] =	sst s2;
	s10 =	sshll.u32 s0, $0x10;
	s3 =	sor.u32 s6, s3  }
0xb: {  	s5 =	sshll.u32 s5, $0x10;
	_ =	strace $0x80000047;
	s9 =	sand.u32 $0x3, s3  }
0xc: {  	p1 =	seq.s32 s6, $0x1;
	s6 =	ssub.s32 $0x2, s6;
	p0 =	seq.s32 s9, $0x0  }
0xd: {  	s10 =	sand.u32 $0xE0000, s10;
	s5 =	sand.u32 $0x10000, s5;
	p0 =	por !p0, !p1  }
0xe: {  	s7 =	sshll.u32 s3, $0x6;
	s3 =	sadd.s32 $0xC7000, s4;
	p0 =	por !p0, !p0  }
0xf: {  	s31 =	sshrl.u32 s6, $0x1;
	s9 =	sshrl.u32 s9, $0x1;
	s11 =	simm.s32 @!p0 $0x0  }
0x10: {  	s10 =	sor.u32 s5, s10;
	s7 =	sadd.s32 s7, s4;
	s9 =	ssub.s32 s9, s11  }
0x11: {  	s4 =	sadd.s32 $0x3A00, s4;
	s5 =	sadd.s32 $0x3200, s7;
	s9 =	sshll.u32 s9, $0x6  }
0x12: {  	s11 =	ssub.s32 s6, s31;
	s6 =	sadd.s32 $0x2A00, s7;
	s9 =	sadd.s32 s9, s10  }
0x13: {  	s7 =	simm.s32 $0x1;
	s10 =	simm.s32 $0x3;
	s9 =	sshrl.u32 s9, $0x3  }
0x14: {  	s8 =	sadd.s32 s8, s9;
	s9 =	smax.u32 s11, $0x1;
	s11 =	simm.s32 $0x200  }
.LBB2_1:
0x15: {  	[tilespmem:s2], [sflag:$0x3] =	stream.linear.gather [hbm4b:s5+s2], $0x200, $0x38;
	[tilespmem:$0x10400] =	vst v63  }
0x16: {  	_ =	swait.ge [sflag:s10], $0x200  }
0x17: {  	[sflag:s10] =	ssyncset.done $0x0  }
0x18: {  	[sflag:s10] =	ssyncadd.s32 $0xFFFFFE00  }
0x19: {  	[tilespmem:s11], [sflag:$0x3] =	stream.linear.gather [hbm4b:s6+s2], $0x200, $0x38;
	[tilespmem:$0x10400] =	vst v63  }
0x1a: {  	_ =	swait.ge [sflag:s10], $0x200  }
0x1b: {  	[sflag:s10] =	ssyncset.done $0x0  }
0x1c: {  	[sflag:s10] =	ssyncadd.s32 $0xFFFFFE00  }
0x1d: {  	[tilespmem:s13], [sflag:$0x1] =	stream.indirect.gather [hbm4b:s3+s12], $0x40, s2, s12, $0xb8;
	[tilespmem:$0x10400] =	vst v63  }
0x1e: {  	_ = 	snop  }
0x1f: {  	[tilespmem:s14], [sflag:$0x2] =	stream.indirect.gather [hbm4b:s4+s12], $0x40, s11, s12, $0xb8;
	[tilespmem:$0x10400] =	vst v63  }
0x20: {  	_ = 	snop  }
0x21: {  	[tilespmem:s15], [sflag:$0x1] =	stream.indirect.gather [hbm4b:s3+s12], $0x40, s12, s12, $0xb8;
	[tilespmem:$0x10400] =	vst v63  }
0x22: {  	_ = 	snop  }
0x23: {  	[tilespmem:s17], [sflag:$0x2] =	stream.indirect.gather [hbm4b:s4+s12], $0x40, s16, s12, $0xb8;
	[tilespmem:$0x10400] =	vst v63  }
0x24: {  	_ = 	snop  }
0x25: {  	[tilespmem:s19], [sflag:$0x1] =	stream.indirect.gather [hbm4b:s3+s12], $0x40, s18, s12, $0xb8;
	[tilespmem:$0x10400] =	vst v63  }
0x26: {  	_ = 	snop  }
0x27: {  	[tilespmem:s21], [sflag:$0x2] =	stream.indirect.gather [hbm4b:s4+s12], $0x40, s20, s12, $0xb8;
	[tilespmem:$0x10400] =	vst v63  }
0x28: {  	_ = 	snop  }
0x29: {  	[tilespmem:s23], [sflag:$0x1] =	stream.indirect.gather [hbm4b:s3+s12], $0x40, s22, s12, $0xb8;
	[tilespmem:$0x10400] =	vst v63  }
0x2a: {  	_ = 	snop  }
0x2b: {  	[tilespmem:s25], [sflag:$0x2] =	stream.indirect.gather [hbm4b:s4+s12], $0x40, s24, s12, $0xb8;
	[tilespmem:$0x10400] =	vst v63  }
0x2c: {  	_ =	swait.ge [sflag:s7], $0x2000  }
0x2d: {  	[sflag:s7] =	ssyncset.done $0x0  }
0x2e: {  	[sflag:s7] =	ssyncadd.s32 $0xFFFFE000  }
0x2f: {  	_ =	swait.ge [sflag:s26], $0x2000  }
0x30: {  	[sflag:s26] =	ssyncset.done $0x0  }
0x31: {  	[sflag:s26] =	ssyncadd.s32 $0xFFFFE000  }
0x32: {  	_ =	swait.ge [sflag:s7], $0x2000  }
0x33: {  	[sflag:s7] =	ssyncset.done $0x0  }
0x34: {  	[sflag:s7] =	ssyncadd.s32 $0xFFFFE000  }
0x35: {  	_ =	swait.ge [sflag:s26], $0x2000  }
0x36: {  	[sflag:s26] =	ssyncset.done $0x0  }
0x37: {  	[sflag:s26] =	ssyncadd.s32 $0xFFFFE000  }
0x38: {  	_ =	swait.ge [sflag:s7], $0x2000  }
0x39: {  	[sflag:s7] =	ssyncset.done $0x0  }
0x3a: {  	[sflag:s7] =	ssyncadd.s32 $0xFFFFE000  }
0x3b: {  	_ =	swait.ge [sflag:s26], $0x2000  }
0x3c: {  	[sflag:s26] =	ssyncset.done $0x0  }
0x3d: {  	[sflag:s26] =	ssyncadd.s32 $0xFFFFE000  }
0x3e: {  	_ =	swait.ge [sflag:s7], $0x2000  }
0x3f: {  	[sflag:s7] =	ssyncset.done $0x0  }
0x40: {  	[sflag:s7] =	ssyncadd.s32 $0xFFFFE000  }
0x41: {  	_ =	swait.ge [sflag:s26], $0x2000  }
0x42: {  	[sflag:s26] =	ssyncset.done $0x0  }
0x43: {  	s30 =	simm.s32 $0x0;
	[sflag:s26] =	ssyncadd.s32 $0xFFFFE000  }
0x44: {  	v5 =	vld [tilespmem:s30+$0x8400]  }
0x45: {  	v6 =	vld [tilespmem:s30+$0x8410]  }
0x46: {  	v1 =	vld [tilespmem:s30+$0x8420]  }
0x47: {  	v0 =	vld [tilespmem:s30+$0x8430]  }
0x48: {  	v2 =	vld [tilespmem:s30+$0x400]  }
0x49: {  	v4 =	vld [tilespmem:s30+$0x410]  }
0x4a: {  	s31 =	simm.s32 $0x100;
	v3 =	vld [tilespmem:s30+$0x420]  }
.LBB2_2:
0x4b: {  	s1 =	sshra.s32 s31, $0x2;
	p0 =	sne.s32 s31, $0x1FF00;
	v7 =	vld [tilespmem:s30+$0x430];
	v8 =	vmov v1  }
0x4c: {  	v9 =	vld [tilespmem:s1+$0x8400];
	v10 =	vmov v0  }
0x4d: {  	v11 =	vld [tilespmem:s1+$0x8410];
	v2 =	vmul.f32 v5, v2  }
.Ltmp0:
0x4e: {  	v1 =	vld [tilespmem:s1+$0x8420];
	v4 =	vmul.f32 v6, v4;
	(pc) =	sbr.rel @p0 .LBB2_2-.Ltmp0, $4  }
0x4f: {  	v0 =	vld [tilespmem:s1+$0x8430];
	[tilespmem:s30+$0x400] =	vst v2;
	v3 =	vmul.f32 v8, v3  }
0x50: {  	v2 =	vld [tilespmem:s1+$0x400];
	[tilespmem:s30+$0x410] =	vst v4;
	v7 =	vmul.f32 v10, v7  }
0x51: {  	v4 =	vld [tilespmem:s1+$0x410];
	[tilespmem:s30+$0x420] =	vst v3;
	v5 =	vmov v9  }
0x52: {  	s31 =	sadd.s32 $0x100, s31;
	v3 =	vld [tilespmem:s1+$0x420];
	[tilespmem:s30+$0x430] =	vst v7;
	v6 =	vmov v11;
	s30 =	smov.u32 s1  }
0x53: {  	v7 =	vld [tilespmem:s30+$0x430];
	_ =	sdelay $0x1  }
0x54: {  	v2 =	vmul.f32 v5, v2  }
0x55: {  	v4 =	vmul.f32 v6, v4  }
0x56: {  	[tilespmem:s30+$0x400] =	vst v2;
	v1 =	vmul.f32 v1, v3  }
0x57: {  	s29 =	sadd.s32 $0x1, s29;
	[tilespmem:s30+$0x410] =	vst v4;
	v0 =	vmul.f32 v0, v7  }
0x58: {  	p0 =	sne.s32 s29, s9;
	[tilespmem:s30+$0x420] =	vst v1  }
.Ltmp1:
0x59: {  	[tilespmem:s30+$0x430] =	vst v0;
	(pc) =	sbr.rel @p0 .LBB2_1-.Ltmp1, $4  }
0x5a: {  	[hbm4b:s8+s28] =	stream.strided.scatter [tilespmem:s13], [sflag:$0x3], $0x8000, s12, s28, $0x38;
	[tilespmem:$0x10400] =	vst v63  }
0x5b: {  	_ =	swait.ge [sflag:s10], $0x8000  }
0x5c: {  	[sflag:s10] =	ssyncset.done $0x0  }
0x5d: {  	[sflag:s10] =	ssyncadd.s32 $0xFFFF8000  }
0x5e: {  	_ =	sfence.sel $0x180000  }
0x5f: {  	[bflag:$0x0] =	sbarrier.arrive $0xFFFF  }
0x60: {  	_ =	strace $0x90000047  }
0x61: {  	[bflag:$0x2] =	sbarrier.arrive $0xFFFF  }
0x62: {  	p0 =	sne.s32 s0, $0x0;
	s0 =	rddreg [dreg:$0x2]  }
0x63: {  	s0 =	sadd.s32 @!p0 $0x100000, s0  }
0x64: {  	[sflag:s0] =	ssyncadd.tile.s32 @!p0 $0x1;
	_ =	shalt  }
.Lfunc_end2:
_tile_overlayer_lowered:
.L_overlay_start_2:
0x65: {  	(tag) =	ssettag $0x2  }
0x66: {  	s0 =	rddreg [dreg:$0x0];
	s2 =	stileid.u32  }
0x67: {  	s1 =	rddreg [dreg:$0x1];
	p0 =	sne.s32 s2, $0x0  }
0x68: {  	s3 =	rddreg [dreg:$0x2];
	[bflag:$0x3] =	sbarrier.arrive $0xFFFF;
	s2 =	simm.s32 @!p0 $0x1C03  }
0x69: {  	[timem:s3], [sflag:s2] =	dma.local @!p0 [hbm:s0], s1  }
0x6a: {  	s0 =	simm.s32 @!p0 $0x3  }
0x6b: {  	_ =	swait.ge @!p0 [sflag:s0], s1  }
0x6c: {  	s1 =	ssub.s32 @!p0 $0x0, s1;
	[sflag:s0] =	ssyncset.done @!p0 $0x0  }
0x6d: {  	[sflag:s0] =	ssyncadd.s32 @!p0 s1  }
0x6e: {  	[bflag:$0x3] =	sbarrier.arrive $0xFFFF  }
0x6f: {  	_ =	shalt  }

</sc_bundles>
